<compile_context>
chip_gen: v7x
topology: tpu7x:2x2x1
jax: 0.10.2.dev20260603
libtpu: 0.0.44.dev20260713+nightly
codegen_flags: <defaults>
</compile_context>

<pallas_src>
import functools

import jax
import jax.numpy as jnp
from jax import lax
from jax.experimental import pallas as pl
from jax.experimental.pallas import tpu as pltpu
from jax.experimental.pallas import tpu_sc as plsc

N = 10000
NEIGH = 32
IN_DIM = 128
OUT_DIM = 256
MID = 64
K = 15
KP_EXTENT = 1.2
TW = 128
BN = 400
NBLK = N // BN

_SC = plsc.get_sparse_core_info()
_NC = _SC.num_cores
_NS = _SC.num_subcores
_NW = _NC * _NS
_ROWS = N * NEIGH
_RPW = _ROWS // _NW
_CHUNK = 400


def _leaky(x):
    return jnp.where(x >= 0, x, 0.1 * x)




def _table_kernel(feat_ref, pts_ref, w1_ref, b1_ref, out_ref):
    x = jnp.dot(feat_ref[...], w1_ref[...], preferred_element_type=jnp.float32)
    x = _leaky(x + b1_ref[...])
    pts = pts_ref[...]
    pn2 = jnp.sum(pts * pts, axis=1, keepdims=True)
    pad = jnp.zeros((N, TW - MID - 4), dtype=jnp.float32)
    out_ref[...] = jnp.concatenate([x, pts, pn2, pad], axis=1)


def _build_table(features, points, W1, b1):
    return pl.pallas_call(
        _table_kernel,
        out_shape=jax.ShapeDtypeStruct((N, TW), jnp.float32),
    )(features, points, W1, b1.reshape(1, MID))




def _sc_gather(table, idx_flat, nrows):
    mesh = plsc.VectorSubcoreMesh(core_axis_name="c", subcore_axis_name="s")
    rpw = nrows // _NW

    @functools.partial(
        pl.kernel,
        mesh=mesh,
        out_type=jax.ShapeDtypeStruct((nrows, TW), jnp.float32),
        scratch_types=[
            pltpu.VMEM((_CHUNK,), jnp.int32),
            pltpu.VMEM((_CHUNK, TW), jnp.float32),
            pltpu.SemaphoreType.DMA,
        ],
    )
    def gather_k(table_hbm, idx_hbm, out_hbm, idx_v, rows_v, sem):
        wid = lax.axis_index("s") * _NC + lax.axis_index("c")
        base = wid * rpw

        def body(i, _):
            off = base + i * _CHUNK
            pltpu.sync_copy(idx_hbm.at[pl.ds(off, _CHUNK)], idx_v)
            pltpu.async_copy(table_hbm.at[idx_v], rows_v, sem).wait()
            pltpu.sync_copy(rows_v, out_hbm.at[pl.ds(off, _CHUNK)])
            return 0

        lax.fori_loop(0, rpw // _CHUNK, body, 0)

    return gather_k(table, idx_flat)




def _block_kernel(g_ref, feat_ref, pts_ref, kp2t_ref, kpn2_ref, wkp_ref,
                  bconv_ref, w2_ref, b2_ref, wsc_ref, bsc_ref, out_ref):
    M = BN * NEIGH
    g = g_ref[...]
    nx = g[:, :MID]
    pn = g[:, MID:MID + 3]
    q = pts_ref[...]

    c = pn.reshape(BN, NEIGH, 3) - q[:, None, :]
    cf = c.reshape(M, 3)
    cn2 = jnp.sum(cf * cf, axis=1, keepdims=True)
    d2 = cn2 - jnp.dot(cf, kp2t_ref[...],
                       preferred_element_type=jnp.float32) + kpn2_ref[...]
    d2 = jnp.maximum(d2, 0.0)
    dist = d2 * lax.rsqrt(d2 + 1e-36)
    w = jnp.maximum(1.0 - dist * (1.0 / KP_EXTENT), 0.0)

    wr = w.reshape(BN, NEIGH, K)
    nxr = nx.reshape(BN, NEIGH, MID)
    agg = lax.dot_general(wr, nxr, (((1,), (1,)), ((0,), (0,))),
                          preferred_element_type=jnp.float32)
    agg = agg.reshape(BN, K * MID)

    xkp = jnp.dot(agg, wkp_ref[...], preferred_element_type=jnp.float32)
    x2 = _leaky(xkp + bconv_ref[...])
    x3 = jnp.dot(x2, w2_ref[...], preferred_element_type=jnp.float32) + b2_ref[...]
    sc = jnp.dot(feat_ref[...], wsc_ref[...],
                 preferred_element_type=jnp.float32) + bsc_ref[...]
    out_ref[...] = _leaky(x3 + sc)


def _stage_c(g, features, points, kp2t, kpn2, wkp_flat, b_conv, W2, b2, Wsc,
             bsc, npts):
    full = lambda shape: pl.BlockSpec(shape, lambda i: (0, 0))
    return pl.pallas_call(
        _block_kernel,
        grid=(npts // BN,),
        in_specs=[
            pl.BlockSpec((BN * NEIGH, TW), lambda i: (i, 0)),
            pl.BlockSpec((BN, IN_DIM), lambda i: (i, 0)),
            pl.BlockSpec((BN, 3), lambda i: (i, 0)),
            full((3, K)),
            full((1, K)),
            full((K * MID, MID)),
            full((1, MID)),
            full((MID, OUT_DIM)),
            full((1, OUT_DIM)),
            full((IN_DIM, OUT_DIM)),
            full((1, OUT_DIM)),
        ],
        out_specs=pl.BlockSpec((BN, OUT_DIM), lambda i: (i, 0)),
        out_shape=jax.ShapeDtypeStruct((npts, OUT_DIM), jnp.float32),
    )(g, features, points, kp2t, kpn2, wkp_flat, b_conv, W2, b2, Wsc, bsc)




def kernel(features, points, neighbors, W1, b1, kernel_points, Wkp, b_conv,
           W2, b2, Wsc, bsc):
    table = _build_table(features, points, W1, b1)
    kp2t = 2.0 * kernel_points.T
    kpn2 = jnp.sum(kernel_points * kernel_points, axis=1).reshape(1, K)
    wkp_flat = Wkp.reshape(K * MID, MID)
    idx = neighbors.reshape(_ROWS)
    outs = []
    for lo, hi in ((0, 2400), (2400, 4800), (4800, 7200), (7200, N)):
        g = _sc_gather(table, idx[lo * NEIGH:hi * NEIGH], (hi - lo) * NEIGH)
        outs.append(_stage_c(g, features[lo:hi], points[lo:hi], kp2t, kpn2,
                             wkp_flat, b_conv.reshape(1, MID), W2,
                             b2.reshape(1, OUT_DIM), Wsc,
                             bsc.reshape(1, OUT_DIM), hi - lo))
    return jnp.concatenate(outs, axis=0)

# --- scband reference (transcript-rebuilt; emitter-appended) ---
"""Pipeline reference for scband-resnet-bottleneck-block-90718299226283 (READ-ONLY COPY).

The authoritative reference and input builder live on the scoring server;
editing this copy changes nothing except your own understanding.
"""

import jax, jax.numpy as jnp
import numpy as np

N = 10000
NEIGH = 32
IN_DIM = 128
OUT_DIM = 256
MID = OUT_DIM // 4
K = 15
KP_EXTENT = 1.2


def leaky_relu(x):
    return jnp.where(x >= 0, x, 0.1 * x)


def setup_inputs(seed: int = 0) -> dict:
    key = jax.random.key(seed)
    ks = jax.random.split(key, 12)
    inp = {}
    inp["features"] = jax.random.normal(ks[0], (N, IN_DIM), dtype=jnp.float32)
    inp["points"] = jax.random.normal(ks[1], (N, 3), dtype=jnp.float32)
    inp["neighbors"] = jax.random.randint(ks[2], (N, NEIGH), 0, N, dtype=jnp.int32)
    # unary1: Linear(IN_DIM -> MID, no bias) + BatchNormBlock with use_bn=False (bias add)
    inp["W1"] = jax.random.normal(ks[3], (IN_DIM, MID), dtype=jnp.float32) * 0.05
    inp["b1"] = jnp.zeros((MID,), dtype=jnp.float32)
    # KPConv parameters (rigid, linear influence, sum aggregation)
    inp["kernel_points"] = jax.random.uniform(ks[4], (K, 3), minval=-1.0, maxval=1.0, dtype=jnp.float32) * KP_EXTENT
    inp["Wkp"] = jax.random.normal(ks[5], (K, MID, MID), dtype=jnp.float32) * 0.05
    inp["b_conv"] = jnp.zeros((MID,), dtype=jnp.float32)
    # unary2: Linear(MID -> OUT_DIM, no bias) + bias, no relu
    inp["W2"] = jax.random.normal(ks[6], (MID, OUT_DIM), dtype=jnp.float32) * 0.05
    inp["b2"] = jnp.zeros((OUT_DIM,), dtype=jnp.float32)
    # shortcut unary: Linear(IN_DIM -> OUT_DIM, no bias) + bias, no relu
    inp["Wsc"] = jax.random.normal(ks[7], (IN_DIM, OUT_DIM), dtype=jnp.float32) * 0.05
    inp["bsc"] = jnp.zeros((OUT_DIM,), dtype=jnp.float32)
    return inp


def kpconv(q_pts, s_pts, neighb_inds, x, kernel_points, Wkp):
    # shadow point far away for out-of-range neighbor indices
    s_pts_pad = jnp.concatenate([s_pts, jnp.full((1, 3), 1e6, dtype=s_pts.dtype)], axis=0)
    neighbors = jnp.take(s_pts_pad, neighb_inds, axis=0)          # [N, H, 3]
    neighbors = neighbors - q_pts[:, None, :]                      # center neighborhoods
    differences = neighbors[:, :, None, :] - kernel_points[None, None, :, :]  # [N,H,K,3]
    sq_distances = jnp.sum(differences ** 2, axis=3)               # [N,H,K]
    # linear KP influence
    all_weights = jnp.clip(1.0 - jnp.sqrt(sq_distances) / KP_EXTENT, 0.0, None)
    all_weights = jnp.transpose(all_weights, (0, 2, 1))            # [N,K,H]
    # shadow feature row of zeros
    x_pad = jnp.concatenate([x, jnp.zeros((1, x.shape[1]), dtype=x.dtype)], axis=0)
    neighb_x = jnp.take(x_pad, neighb_inds, axis=0)                # [N,H,C]
    weighted_features = jnp.matmul(all_weights, neighb_x)          # [N,K,C]
    weighted_features = jnp.transpose(weighted_features, (1, 0, 2))  # [K,N,C]
    kernel_outputs = jnp.matmul(weighted_features, Wkp)            # [K,N,Cout]
    return jnp.sum(kernel_outputs, axis=0)                         # [N,Cout]


def reference(features, points, neighbors, W1, b1, kernel_points, Wkp, b_conv, W2, b2, Wsc, bsc):
    # unary1 (in_dim != out_dim//4, so active): Linear + bias (bn off) + leaky relu
    x = features @ W1 + b1
    x = leaky_relu(x)
    # KPConv (non-strided block: q_pts = s_pts = points[layer_ind])
    x = kpconv(points, points, neighbors, x, kernel_points, Wkp)
    # batch_norm_conv (bias add) + leaky relu
    x = leaky_relu(x + b_conv)
    # unary2, no relu
    x = x @ W2 + b2
    # shortcut = features (non-strided), unary_shortcut active since in_dim != out_dim
    shortcut = features @ Wsc + bsc
    return leaky_relu(x + shortcut)

if __name__ == "__main__":
    import jax
    _d = setup_inputs()
    print(jax.jit(kernel)(*tuple(_d.values())))

</pallas_src>

<mosaic_0001>
#map = affine_map<(d0, d1) -> (0, 0)>
#map1 = affine_map<(d0, d1) -> (0)>
module attributes {stable_mosaic.version = 14 : i64} {
  func.func @gather_k(%arg0: i32, %arg1: i32, %arg2: memref<10000x128xf32, #tpu.memory_space<hbm>>, %arg3: memref<76800xi32, #tpu.memory_space<hbm>>, %arg4: memref<76800x128xf32, #tpu.memory_space<hbm>>, %arg5: memref<400xi32, #tpu.memory_space<vmem>>, %arg6: memref<400x128xf32, #tpu.memory_space<vmem>>, %arg7: memref<!tpu.dma_semaphore, #tpu.memory_space<semaphore_mem>>) attributes {dimension_semantics = [#tpu.dimension_semantics<core_parallel>, #tpu.dimension_semantics<subcore_parallel>], iteration_bounds = array<i64: 2, 16>, scalar_prefetch = 0 : i64, scratch_operands = 3 : i64, tpu.core_type = #tpu.core_type<sc_vector_subcore>, window_params = [{transform_indices = #map}, {transform_indices = #map1}, {transform_indices = #map}]} {
    %mul3A = arith.constant 2 : i32
    %mul3A_0 = arith.muli %arg1, %mul3A : i32
    %add3A = arith.addi %mul3A_0, %arg0 : i32
    %mul3A_1 = arith.constant 2400 : i32
    %mul3A_2 = arith.muli %add3A, %mul3A_1 : i32
    %scan3A = arith.constant 0 : i32
    %scan3A_3 = arith.constant 0 : i32
    %scan3A_4 = arith.constant 6 : i32
    %scan3A_5 = arith.addi %scan3A_3, %scan3A_4 : i32
    %scan3A_6 = arith.constant 1 : i32
    %scan3A_7 = scf.for %scan3A_9 = %scan3A_3 to %scan3A_5 step %scan3A_6 iter_args(%scan3A_10 = %scan3A) -> (i32)  : i32 {
      %mul3A_11 = arith.constant 400 : i32
      %mul3A_12 = arith.muli %scan3A_9, %mul3A_11 : i32
      %add3A_13 = arith.addi %mul3A_2, %mul3A_12 : i32
      "tpu.region"() ({
        %run_scoped3A = tpu.sem_alloc : memref<!tpu.dma_semaphore, #tpu.memory_space<semaphore_mem>>
        %dma_start3A_19 = tpu.memref_slice %arg3[%add3A_13] : memref<76800xi32, #tpu.memory_space<hbm>> -> memref<400xi32, #tpu.memory_space<hbm>>
        %dma_start3A_20 = tpu.memref_slice %arg3[%add3A_13] : memref<76800xi32, #tpu.memory_space<hbm>> -> memref<400xi32, #tpu.memory_space<hbm>>
        tpu.enqueue_dma source(%dma_start3A_20 : memref<400xi32, #tpu.memory_space<hbm>>) target(%arg5 : memref<400xi32, #tpu.memory_space<vmem>>) target_semaphore(%run_scoped3A : memref<!tpu.dma_semaphore, #tpu.memory_space<semaphore_mem>>)
        %dma_wait3A_21 = tpu.memref_slice %arg3[%add3A_13] : memref<76800xi32, #tpu.memory_space<hbm>> -> memref<400xi32, #tpu.memory_space<hbm>>
        %dma_wait3A_22 = tpu.memref_slice %arg3[%add3A_13] : memref<76800xi32, #tpu.memory_space<hbm>> -> memref<400xi32, #tpu.memory_space<hbm>>
        tpu.wait_dma2 semaphore(%run_scoped3A : memref<!tpu.dma_semaphore, #tpu.memory_space<semaphore_mem>>) src(%dma_wait3A_22 : memref<400xi32, #tpu.memory_space<hbm>>) dst(%arg5 : memref<400xi32, #tpu.memory_space<vmem>>)
        tpu.yield
      }) : () -> ()
      %dma_start3A = arith.constant 0 : i32
      %dma_start3A_14 = arith.constant 0 : i32
      %dma_start3A_15 = tpu.memref_slice %arg2[%dma_start3A, %dma_start3A_14] : memref<10000x128xf32, #tpu.memory_space<hbm>> -> memref<10000x128xf32, #tpu.memory_space<hbm>>
      tpu.enqueue_indirect_dma source(%dma_start3A_15 : memref<10000x128xf32, #tpu.memory_space<hbm>>) target(%arg6 : memref<400x128xf32, #tpu.memory_space<vmem>>) offsets(%arg5 : memref<400xi32, #tpu.memory_space<vmem>>) semaphore(%arg7 : memref<!tpu.dma_semaphore, #tpu.memory_space<semaphore_mem>>)
      %dma_wait3A = arith.constant 0 : i32
      %dma_wait3A_16 = arith.constant 0 : i32
      %dma_wait3A_17 = tpu.memref_slice %arg2[%dma_wait3A, %dma_wait3A_16] : memref<10000x128xf32, #tpu.memory_space<hbm>> -> memref<10000x128xf32, #tpu.memory_space<hbm>>
      tpu.wait_indirect_dma semaphore(%arg7 : memref<!tpu.dma_semaphore, #tpu.memory_space<semaphore_mem>>) src(%dma_wait3A_17 : memref<10000x128xf32, #tpu.memory_space<hbm>>) dst(%arg6 : memref<400x128xf32, #tpu.memory_space<vmem>>)
      "tpu.region"() ({
        %run_scoped3A = tpu.sem_alloc : memref<!tpu.dma_semaphore, #tpu.memory_space<semaphore_mem>>
        %dma_start3A_19 = arith.constant 0 : i32
        %dma_start3A_20 = tpu.memref_slice %arg4[%add3A_13, %dma_start3A_19] : memref<76800x128xf32, #tpu.memory_space<hbm>> -> memref<400x128xf32, #tpu.memory_space<hbm>>
        %dma_start3A_21 = arith.constant 0 : i32
        %dma_start3A_22 = tpu.memref_slice %arg4[%add3A_13, %dma_start3A_21] : memref<76800x128xf32, #tpu.memory_space<hbm>> -> memref<400x128xf32, #tpu.memory_space<hbm>>
        tpu.enqueue_dma source(%arg6 : memref<400x128xf32, #tpu.memory_space<vmem>>) target(%dma_start3A_22 : memref<400x128xf32, #tpu.memory_space<hbm>>) target_semaphore(%run_scoped3A : memref<!tpu.dma_semaphore, #tpu.memory_space<semaphore_mem>>)
        %dma_wait3A_23 = arith.constant 0 : i32
        %dma_wait3A_24 = tpu.memref_slice %arg4[%add3A_13, %dma_wait3A_23] : memref<76800x128xf32, #tpu.memory_space<hbm>> -> memref<400x128xf32, #tpu.memory_space<hbm>>
        %dma_wait3A_25 = arith.constant 0 : i32
        %dma_wait3A_26 = tpu.memref_slice %arg4[%add3A_13, %dma_wait3A_25] : memref<76800x128xf32, #tpu.memory_space<hbm>> -> memref<400x128xf32, #tpu.memory_space<hbm>>
        tpu.wait_dma2 semaphore(%run_scoped3A : memref<!tpu.dma_semaphore, #tpu.memory_space<semaphore_mem>>) src(%arg6 : memref<400x128xf32, #tpu.memory_space<vmem>>) dst(%dma_wait3A_26 : memref<400x128xf32, #tpu.memory_space<hbm>>)
        tpu.yield
      }) : () -> ()
      %scan3A_18 = arith.constant 0 : i32
      scf.yield %scan3A_18 : i32
    }
    %scan3A_8 = arith.constant 6 : i32
    return
  }
}

#map = affine_map<(d0, d1) -> (0, 0)>
#map1 = affine_map<(d0, d1) -> (0)>
module attributes {stable_mosaic.version = 14 : i64} {
  func.func @gather_k(%arg0: i32, %arg1: i32, %arg2: memref<10000x128xf32, #tpu.memory_space<hbm>>, %arg3: memref<76800xi32, #tpu.memory_space<hbm>>, %arg4: memref<76800x128xf32, #tpu.memory_space<hbm>>, %arg5: memref<400xi32, #tpu.memory_space<vmem>>, %arg6: memref<400x128xf32, #tpu.memory_space<vmem>>, %arg7: memref<!tpu.dma_semaphore, #tpu.memory_space<semaphore_mem>>) attributes {dimension_semantics = [#tpu.dimension_semantics<core_parallel>, #tpu.dimension_semantics<subcore_parallel>], iteration_bounds = array<i64: 2, 16>, scalar_prefetch = 0 : i64, scratch_operands = 3 : i64, tpu.core_type = #tpu.core_type<sc_vector_subcore>, window_params = [{transform_indices = #map}, {transform_indices = #map1}, {transform_indices = #map}]} {
    %mul3A = arith.constant 2 : i32
    %mul3A_0 = arith.muli %arg1, %mul3A : i32
    %add3A = arith.addi %mul3A_0, %arg0 : i32
    %mul3A_1 = arith.constant 2400 : i32
    %mul3A_2 = arith.muli %add3A, %mul3A_1 : i32
    %scan3A = arith.constant 0 : i32
    %scan3A_3 = arith.constant 0 : i32
    %scan3A_4 = arith.constant 6 : i32
    %scan3A_5 = arith.addi %scan3A_3, %scan3A_4 : i32
    %scan3A_6 = arith.constant 1 : i32
    %scan3A_7 = scf.for %scan3A_9 = %scan3A_3 to %scan3A_5 step %scan3A_6 iter_args(%scan3A_10 = %scan3A) -> (i32)  : i32 {
      %mul3A_11 = arith.constant 400 : i32
      %mul3A_12 = arith.muli %scan3A_9, %mul3A_11 : i32
      %add3A_13 = arith.addi %mul3A_2, %mul3A_12 : i32
      "tpu.region"() ({
        %run_scoped3A = tpu.sem_alloc : memref<!tpu.dma_semaphore, #tpu.memory_space<semaphore_mem>>
        %dma_start3A_19 = tpu.memref_slice %arg3[%add3A_13] : memref<76800xi32, #tpu.memory_space<hbm>> -> memref<400xi32, #tpu.memory_space<hbm>>
        %dma_start3A_20 = tpu.memref_slice %arg3[%add3A_13] : memref<76800xi32, #tpu.memory_space<hbm>> -> memref<400xi32, #tpu.memory_space<hbm>>
        tpu.enqueue_dma source(%dma_start3A_20 : memref<400xi32, #tpu.memory_space<hbm>>) target(%arg5 : memref<400xi32, #tpu.memory_space<vmem>>) target_semaphore(%run_scoped3A : memref<!tpu.dma_semaphore, #tpu.memory_space<semaphore_mem>>)
        %dma_wait3A_21 = tpu.memref_slice %arg3[%add3A_13] : memref<76800xi32, #tpu.memory_space<hbm>> -> memref<400xi32, #tpu.memory_space<hbm>>
        %dma_wait3A_22 = tpu.memref_slice %arg3[%add3A_13] : memref<76800xi32, #tpu.memory_space<hbm>> -> memref<400xi32, #tpu.memory_space<hbm>>
        tpu.wait_dma2 semaphore(%run_scoped3A : memref<!tpu.dma_semaphore, #tpu.memory_space<semaphore_mem>>) src(%dma_wait3A_22 : memref<400xi32, #tpu.memory_space<hbm>>) dst(%arg5 : memref<400xi32, #tpu.memory_space<vmem>>)
        tpu.yield
      }) : () -> ()
      %dma_start3A = arith.constant 0 : i32
      %dma_start3A_14 = arith.constant 0 : i32
      %dma_start3A_15 = tpu.memref_slice %arg2[%dma_start3A, %dma_start3A_14] : memref<10000x128xf32, #tpu.memory_space<hbm>> -> memref<10000x128xf32, #tpu.memory_space<hbm>>
      tpu.enqueue_indirect_dma source(%dma_start3A_15 : memref<10000x128xf32, #tpu.memory_space<hbm>>) target(%arg6 : memref<400x128xf32, #tpu.memory_space<vmem>>) offsets(%arg5 : memref<400xi32, #tpu.memory_space<vmem>>) semaphore(%arg7 : memref<!tpu.dma_semaphore, #tpu.memory_space<semaphore_mem>>)
      %dma_wait3A = arith.constant 0 : i32
      %dma_wait3A_16 = arith.constant 0 : i32
      %dma_wait3A_17 = tpu.memref_slice %arg2[%dma_wait3A, %dma_wait3A_16] : memref<10000x128xf32, #tpu.memory_space<hbm>> -> memref<10000x128xf32, #tpu.memory_space<hbm>>
      tpu.wait_indirect_dma semaphore(%arg7 : memref<!tpu.dma_semaphore, #tpu.memory_space<semaphore_mem>>) src(%dma_wait3A_17 : memref<10000x128xf32, #tpu.memory_space<hbm>>) dst(%arg6 : memref<400x128xf32, #tpu.memory_space<vmem>>)
      "tpu.region"() ({
        %run_scoped3A = tpu.sem_alloc : memref<!tpu.dma_semaphore, #tpu.memory_space<semaphore_mem>>
        %dma_start3A_19 = arith.constant 0 : i32
        %dma_start3A_20 = tpu.memref_slice %arg4[%add3A_13, %dma_start3A_19] : memref<76800x128xf32, #tpu.memory_space<hbm>> -> memref<400x128xf32, #tpu.memory_space<hbm>>
        %dma_start3A_21 = arith.constant 0 : i32
        %dma_start3A_22 = tpu.memref_slice %arg4[%add3A_13, %dma_start3A_21] : memref<76800x128xf32, #tpu.memory_space<hbm>> -> memref<400x128xf32, #tpu.memory_space<hbm>>
        tpu.enqueue_dma source(%arg6 : memref<400x128xf32, #tpu.memory_space<vmem>>) target(%dma_start3A_22 : memref<400x128xf32, #tpu.memory_space<hbm>>) target_semaphore(%run_scoped3A : memref<!tpu.dma_semaphore, #tpu.memory_space<semaphore_mem>>)
        %dma_wait3A_23 = arith.constant 0 : i32
        %dma_wait3A_24 = tpu.memref_slice %arg4[%add3A_13, %dma_wait3A_23] : memref<76800x128xf32, #tpu.memory_space<hbm>> -> memref<400x128xf32, #tpu.memory_space<hbm>>
        %dma_wait3A_25 = arith.constant 0 : i32
        %dma_wait3A_26 = tpu.memref_slice %arg4[%add3A_13, %dma_wait3A_25] : memref<76800x128xf32, #tpu.memory_space<hbm>> -> memref<400x128xf32, #tpu.memory_space<hbm>>
        tpu.wait_dma2 semaphore(%run_scoped3A : memref<!tpu.dma_semaphore, #tpu.memory_space<semaphore_mem>>) src(%arg6 : memref<400x128xf32, #tpu.memory_space<vmem>>) dst(%dma_wait3A_26 : memref<400x128xf32, #tpu.memory_space<hbm>>)
        tpu.yield
      }) : () -> ()
      %scan3A_18 = arith.constant 0 : i32
      scf.yield %scan3A_18 : i32
    }
    %scan3A_8 = arith.constant 6 : i32
    return
  }
}

#map = affine_map<(d0, d1) -> (0, 0)>
#map1 = affine_map<(d0, d1) -> (0)>
module attributes {stable_mosaic.version = 14 : i64} {
  func.func @gather_k(%arg0: i32, %arg1: i32, %arg2: memref<10000x128xf32, #tpu.memory_space<hbm>>, %arg3: memref<76800xi32, #tpu.memory_space<hbm>>, %arg4: memref<76800x128xf32, #tpu.memory_space<hbm>>, %arg5: memref<400xi32, #tpu.memory_space<vmem>>, %arg6: memref<400x128xf32, #tpu.memory_space<vmem>>, %arg7: memref<!tpu.dma_semaphore, #tpu.memory_space<semaphore_mem>>) attributes {dimension_semantics = [#tpu.dimension_semantics<core_parallel>, #tpu.dimension_semantics<subcore_parallel>], iteration_bounds = array<i64: 2, 16>, scalar_prefetch = 0 : i64, scratch_operands = 3 : i64, tpu.core_type = #tpu.core_type<sc_vector_subcore>, window_params = [{transform_indices = #map}, {transform_indices = #map1}, {transform_indices = #map}]} {
    %mul3A = arith.constant 2 : i32
    %mul3A_0 = arith.muli %arg1, %mul3A : i32
    %add3A = arith.addi %mul3A_0, %arg0 : i32
    %mul3A_1 = arith.constant 2400 : i32
    %mul3A_2 = arith.muli %add3A, %mul3A_1 : i32
    %scan3A = arith.constant 0 : i32
    %scan3A_3 = arith.constant 0 : i32
    %scan3A_4 = arith.constant 6 : i32
    %scan3A_5 = arith.addi %scan3A_3, %scan3A_4 : i32
    %scan3A_6 = arith.constant 1 : i32
    %scan3A_7 = scf.for %scan3A_9 = %scan3A_3 to %scan3A_5 step %scan3A_6 iter_args(%scan3A_10 = %scan3A) -> (i32)  : i32 {
      %mul3A_11 = arith.constant 400 : i32
      %mul3A_12 = arith.muli %scan3A_9, %mul3A_11 : i32
      %add3A_13 = arith.addi %mul3A_2, %mul3A_12 : i32
      "tpu.region"() ({
        %run_scoped3A = tpu.sem_alloc : memref<!tpu.dma_semaphore, #tpu.memory_space<semaphore_mem>>
        %dma_start3A_19 = tpu.memref_slice %arg3[%add3A_13] : memref<76800xi32, #tpu.memory_space<hbm>> -> memref<400xi32, #tpu.memory_space<hbm>>
        %dma_start3A_20 = tpu.memref_slice %arg3[%add3A_13] : memref<76800xi32, #tpu.memory_space<hbm>> -> memref<400xi32, #tpu.memory_space<hbm>>
        tpu.enqueue_dma source(%dma_start3A_20 : memref<400xi32, #tpu.memory_space<hbm>>) target(%arg5 : memref<400xi32, #tpu.memory_space<vmem>>) target_semaphore(%run_scoped3A : memref<!tpu.dma_semaphore, #tpu.memory_space<semaphore_mem>>)
        %dma_wait3A_21 = tpu.memref_slice %arg3[%add3A_13] : memref<76800xi32, #tpu.memory_space<hbm>> -> memref<400xi32, #tpu.memory_space<hbm>>
        %dma_wait3A_22 = tpu.memref_slice %arg3[%add3A_13] : memref<76800xi32, #tpu.memory_space<hbm>> -> memref<400xi32, #tpu.memory_space<hbm>>
        tpu.wait_dma2 semaphore(%run_scoped3A : memref<!tpu.dma_semaphore, #tpu.memory_space<semaphore_mem>>) src(%dma_wait3A_22 : memref<400xi32, #tpu.memory_space<hbm>>) dst(%arg5 : memref<400xi32, #tpu.memory_space<vmem>>)
        tpu.yield
      }) : () -> ()
      %dma_start3A = arith.constant 0 : i32
      %dma_start3A_14 = arith.constant 0 : i32
      %dma_start3A_15 = tpu.memref_slice %arg2[%dma_start3A, %dma_start3A_14] : memref<10000x128xf32, #tpu.memory_space<hbm>> -> memref<10000x128xf32, #tpu.memory_space<hbm>>
      tpu.enqueue_indirect_dma source(%dma_start3A_15 : memref<10000x128xf32, #tpu.memory_space<hbm>>) target(%arg6 : memref<400x128xf32, #tpu.memory_space<vmem>>) offsets(%arg5 : memref<400xi32, #tpu.memory_space<vmem>>) semaphore(%arg7 : memref<!tpu.dma_semaphore, #tpu.memory_space<semaphore_mem>>)
      %dma_wait3A = arith.constant 0 : i32
      %dma_wait3A_16 = arith.constant 0 : i32
      %dma_wait3A_17 = tpu.memref_slice %arg2[%dma_wait3A, %dma_wait3A_16] : memref<10000x128xf32, #tpu.memory_space<hbm>> -> memref<10000x128xf32, #tpu.memory_space<hbm>>
      tpu.wait_indirect_dma semaphore(%arg7 : memref<!tpu.dma_semaphore, #tpu.memory_space<semaphore_mem>>) src(%dma_wait3A_17 : memref<10000x128xf32, #tpu.memory_space<hbm>>) dst(%arg6 : memref<400x128xf32, #tpu.memory_space<vmem>>)
      "tpu.region"() ({
        %run_scoped3A = tpu.sem_alloc : memref<!tpu.dma_semaphore, #tpu.memory_space<semaphore_mem>>
        %dma_start3A_19 = arith.constant 0 : i32
        %dma_start3A_20 = tpu.memref_slice %arg4[%add3A_13, %dma_start3A_19] : memref<76800x128xf32, #tpu.memory_space<hbm>> -> memref<400x128xf32, #tpu.memory_space<hbm>>
        %dma_start3A_21 = arith.constant 0 : i32
        %dma_start3A_22 = tpu.memref_slice %arg4[%add3A_13, %dma_start3A_21] : memref<76800x128xf32, #tpu.memory_space<hbm>> -> memref<400x128xf32, #tpu.memory_space<hbm>>
        tpu.enqueue_dma source(%arg6 : memref<400x128xf32, #tpu.memory_space<vmem>>) target(%dma_start3A_22 : memref<400x128xf32, #tpu.memory_space<hbm>>) target_semaphore(%run_scoped3A : memref<!tpu.dma_semaphore, #tpu.memory_space<semaphore_mem>>)
        %dma_wait3A_23 = arith.constant 0 : i32
        %dma_wait3A_24 = tpu.memref_slice %arg4[%add3A_13, %dma_wait3A_23] : memref<76800x128xf32, #tpu.memory_space<hbm>> -> memref<400x128xf32, #tpu.memory_space<hbm>>
        %dma_wait3A_25 = arith.constant 0 : i32
        %dma_wait3A_26 = tpu.memref_slice %arg4[%add3A_13, %dma_wait3A_25] : memref<76800x128xf32, #tpu.memory_space<hbm>> -> memref<400x128xf32, #tpu.memory_space<hbm>>
        tpu.wait_dma2 semaphore(%run_scoped3A : memref<!tpu.dma_semaphore, #tpu.memory_space<semaphore_mem>>) src(%arg6 : memref<400x128xf32, #tpu.memory_space<vmem>>) dst(%dma_wait3A_26 : memref<400x128xf32, #tpu.memory_space<hbm>>)
        tpu.yield
      }) : () -> ()
      %scan3A_18 = arith.constant 0 : i32
      scf.yield %scan3A_18 : i32
    }
    %scan3A_8 = arith.constant 6 : i32
    return
  }
}

#map = affine_map<(d0, d1) -> (0, 0)>
#map1 = affine_map<(d0, d1) -> (0)>
module attributes {stable_mosaic.version = 14 : i64} {
  func.func @gather_k(%arg0: i32, %arg1: i32, %arg2: memref<10000x128xf32, #tpu.memory_space<hbm>>, %arg3: memref<89600xi32, #tpu.memory_space<hbm>>, %arg4: memref<89600x128xf32, #tpu.memory_space<hbm>>, %arg5: memref<400xi32, #tpu.memory_space<vmem>>, %arg6: memref<400x128xf32, #tpu.memory_space<vmem>>, %arg7: memref<!tpu.dma_semaphore, #tpu.memory_space<semaphore_mem>>) attributes {dimension_semantics = [#tpu.dimension_semantics<core_parallel>, #tpu.dimension_semantics<subcore_parallel>], iteration_bounds = array<i64: 2, 16>, scalar_prefetch = 0 : i64, scratch_operands = 3 : i64, tpu.core_type = #tpu.core_type<sc_vector_subcore>, window_params = [{transform_indices = #map}, {transform_indices = #map1}, {transform_indices = #map}]} {
    %mul3A = arith.constant 2 : i32
    %mul3A_0 = arith.muli %arg1, %mul3A : i32
    %add3A = arith.addi %mul3A_0, %arg0 : i32
    %mul3A_1 = arith.constant 2800 : i32
    %mul3A_2 = arith.muli %add3A, %mul3A_1 : i32
    %scan3A = arith.constant 0 : i32
    %scan3A_3 = arith.constant 0 : i32
    %scan3A_4 = arith.constant 7 : i32
    %scan3A_5 = arith.addi %scan3A_3, %scan3A_4 : i32
    %scan3A_6 = arith.constant 1 : i32
    %scan3A_7 = scf.for %scan3A_9 = %scan3A_3 to %scan3A_5 step %scan3A_6 iter_args(%scan3A_10 = %scan3A) -> (i32)  : i32 {
      %mul3A_11 = arith.constant 400 : i32
      %mul3A_12 = arith.muli %scan3A_9, %mul3A_11 : i32
      %add3A_13 = arith.addi %mul3A_2, %mul3A_12 : i32
      "tpu.region"() ({
        %run_scoped3A = tpu.sem_alloc : memref<!tpu.dma_semaphore, #tpu.memory_space<semaphore_mem>>
        %dma_start3A_19 = tpu.memref_slice %arg3[%add3A_13] : memref<89600xi32, #tpu.memory_space<hbm>> -> memref<400xi32, #tpu.memory_space<hbm>>
        %dma_start3A_20 = tpu.memref_slice %arg3[%add3A_13] : memref<89600xi32, #tpu.memory_space<hbm>> -> memref<400xi32, #tpu.memory_space<hbm>>
        tpu.enqueue_dma source(%dma_start3A_20 : memref<400xi32, #tpu.memory_space<hbm>>) target(%arg5 : memref<400xi32, #tpu.memory_space<vmem>>) target_semaphore(%run_scoped3A : memref<!tpu.dma_semaphore, #tpu.memory_space<semaphore_mem>>)
        %dma_wait3A_21 = tpu.memref_slice %arg3[%add3A_13] : memref<89600xi32, #tpu.memory_space<hbm>> -> memref<400xi32, #tpu.memory_space<hbm>>
        %dma_wait3A_22 = tpu.memref_slice %arg3[%add3A_13] : memref<89600xi32, #tpu.memory_space<hbm>> -> memref<400xi32, #tpu.memory_space<hbm>>
        tpu.wait_dma2 semaphore(%run_scoped3A : memref<!tpu.dma_semaphore, #tpu.memory_space<semaphore_mem>>) src(%dma_wait3A_22 : memref<400xi32, #tpu.memory_space<hbm>>) dst(%arg5 : memref<400xi32, #tpu.memory_space<vmem>>)
        tpu.yield
      }) : () -> ()
      %dma_start3A = arith.constant 0 : i32
      %dma_start3A_14 = arith.constant 0 : i32
      %dma_start3A_15 = tpu.memref_slice %arg2[%dma_start3A, %dma_start3A_14] : memref<10000x128xf32, #tpu.memory_space<hbm>> -> memref<10000x128xf32, #tpu.memory_space<hbm>>
      tpu.enqueue_indirect_dma source(%dma_start3A_15 : memref<10000x128xf32, #tpu.memory_space<hbm>>) target(%arg6 : memref<400x128xf32, #tpu.memory_space<vmem>>) offsets(%arg5 : memref<400xi32, #tpu.memory_space<vmem>>) semaphore(%arg7 : memref<!tpu.dma_semaphore, #tpu.memory_space<semaphore_mem>>)
      %dma_wait3A = arith.constant 0 : i32
      %dma_wait3A_16 = arith.constant 0 : i32
      %dma_wait3A_17 = tpu.memref_slice %arg2[%dma_wait3A, %dma_wait3A_16] : memref<10000x128xf32, #tpu.memory_space<hbm>> -> memref<10000x128xf32, #tpu.memory_space<hbm>>
      tpu.wait_indirect_dma semaphore(%arg7 : memref<!tpu.dma_semaphore, #tpu.memory_space<semaphore_mem>>) src(%dma_wait3A_17 : memref<10000x128xf32, #tpu.memory_space<hbm>>) dst(%arg6 : memref<400x128xf32, #tpu.memory_space<vmem>>)
      "tpu.region"() ({
        %run_scoped3A = tpu.sem_alloc : memref<!tpu.dma_semaphore, #tpu.memory_space<semaphore_mem>>
        %dma_start3A_19 = arith.constant 0 : i32
        %dma_start3A_20 = tpu.memref_slice %arg4[%add3A_13, %dma_start3A_19] : memref<89600x128xf32, #tpu.memory_space<hbm>> -> memref<400x128xf32, #tpu.memory_space<hbm>>
        %dma_start3A_21 = arith.constant 0 : i32
        %dma_start3A_22 = tpu.memref_slice %arg4[%add3A_13, %dma_start3A_21] : memref<89600x128xf32, #tpu.memory_space<hbm>> -> memref<400x128xf32, #tpu.memory_space<hbm>>
        tpu.enqueue_dma source(%arg6 : memref<400x128xf32, #tpu.memory_space<vmem>>) target(%dma_start3A_22 : memref<400x128xf32, #tpu.memory_space<hbm>>) target_semaphore(%run_scoped3A : memref<!tpu.dma_semaphore, #tpu.memory_space<semaphore_mem>>)
        %dma_wait3A_23 = arith.constant 0 : i32
        %dma_wait3A_24 = tpu.memref_slice %arg4[%add3A_13, %dma_wait3A_23] : memref<89600x128xf32, #tpu.memory_space<hbm>> -> memref<400x128xf32, #tpu.memory_space<hbm>>
        %dma_wait3A_25 = arith.constant 0 : i32
        %dma_wait3A_26 = tpu.memref_slice %arg4[%add3A_13, %dma_wait3A_25] : memref<89600x128xf32, #tpu.memory_space<hbm>> -> memref<400x128xf32, #tpu.memory_space<hbm>>
        tpu.wait_dma2 semaphore(%run_scoped3A : memref<!tpu.dma_semaphore, #tpu.memory_space<semaphore_mem>>) src(%arg6 : memref<400x128xf32, #tpu.memory_space<vmem>>) dst(%dma_wait3A_26 : memref<400x128xf32, #tpu.memory_space<hbm>>)
        tpu.yield
      }) : () -> ()
      %scan3A_18 = arith.constant 0 : i32
      scf.yield %scan3A_18 : i32
    }
    %scan3A_8 = arith.constant 7 : i32
    return
  }
}

module attributes {stable_mosaic.version = 14 : i64} {
  func.func @_table_kernel(%arg0: memref<10000x128xf32, #tpu.memory_space<vmem>>, %arg1: memref<10000x3xf32, #tpu.memory_space<vmem>>, %arg2: memref<128x64xf32, #tpu.memory_space<vmem>>, %arg3: memref<1x64xf32, #tpu.memory_space<vmem>>, %arg4: memref<10000x128xf32, #tpu.memory_space<vmem>>) attributes {dimension_semantics = [], scalar_prefetch = 0 : i64, scratch_operands = 0 : i64, tpu.core_type = #tpu.core_type<tc>} {
    %get3A = arith.constant 0 : index
    %get3A_0 = arith.constant 0 : index
    %get3A_1 = vector.load %arg0[%get3A, %get3A_0] : memref<10000x128xf32, #tpu.memory_space<vmem>>, vector<10000x128xf32>
    %get3A_2 = arith.constant 0 : index
    %get3A_3 = arith.constant 0 : index
    %get3A_4 = vector.load %arg2[%get3A_2, %get3A_3] : memref<128x64xf32, #tpu.memory_space<vmem>>, vector<128x64xf32>
    %dot_general3A = arith.constant dense<0.000000e+00> : vector<10000x64xf32>
    %dot_general3A_5 = tpu.matmul %get3A_1, %get3A_4, %dot_general3A {dimension_numbers = #tpu.dot_dimension_numbers<[1], [0], [0], [1], [0, 0, 1, 1], [], []>, transpose_lhs_hint = false} : vector<10000x128xf32>, vector<128x64xf32>, vector<10000x64xf32> -> vector<10000x64xf32>
    %get3A_6 = arith.constant 0 : index
    %get3A_7 = arith.constant 0 : index
    %get3A_8 = vector.load %arg3[%get3A_6, %get3A_7] : memref<1x64xf32, #tpu.memory_space<vmem>>, vector<1x64xf32>
    %add3A = vector.broadcast %get3A_8 : vector<1x64xf32> to vector<10000x64xf32>
    %add3A_9 = arith.addf %dot_general3A_5, %add3A : vector<10000x64xf32>
    %ge3A = arith.constant 0.000000e+00 : f32
    %ge3A_10 = vector.broadcast %ge3A : f32 to vector<10000x64xf32>
    %ge3A_11 = arith.cmpf oge, %add3A_9, %ge3A_10 : vector<10000x64xf32>
    %mul3A = arith.constant 1.000000e-01 : f32
    %mul3A_12 = vector.broadcast %mul3A : f32 to vector<10000x64xf32>
    %mul3A_13 = arith.mulf %mul3A_12, %add3A_9 : vector<10000x64xf32>
    %select_n3A = arith.select %ge3A_11, %add3A_9, %mul3A_13 : vector<10000x64xi1>, vector<10000x64xf32>
    %get3A_14 = arith.constant 0 : index
    %get3A_15 = arith.constant 0 : index
    %get3A_16 = vector.load %arg1[%get3A_14, %get3A_15] : memref<10000x3xf32, #tpu.memory_space<vmem>>, vector<10000x3xf32>
    %mul3A_17 = arith.mulf %get3A_16, %get3A_16 : vector<10000x3xf32>
    %reduce_sum3A = arith.constant dense<0.000000e+00> : vector<10000xf32>
    %reduce_sum3A_18 = vector.multi_reduction <add>, %mul3A_17, %reduce_sum3A [1] : vector<10000x3xf32> to vector<10000xf32>
    %broadcast_in_dim3A = vector.shape_cast %reduce_sum3A_18 : vector<10000xf32> to vector<10000x1xf32>
    %broadcast_in_dim3A_19 = arith.constant 0.000000e+00 : f32
    %broadcast_in_dim3A_20 = vector.broadcast %broadcast_in_dim3A_19 : f32 to vector<10000x60xf32>
    %concatenate3A = tpu.concatenate %select_n3A, %get3A_16, %broadcast_in_dim3A, %broadcast_in_dim3A_20 in 1 : vector<10000x64xf32>, vector<10000x3xf32>, vector<10000x1xf32>, vector<10000x60xf32> -> vector<10000x128xf32>
    %swap3A = arith.constant 0 : index
    %swap3A_21 = arith.constant 0 : index
    %swap3A_22 = vector.load %arg4[%swap3A, %swap3A_21] : memref<10000x128xf32, #tpu.memory_space<vmem>>, vector<10000x128xf32>
    tpu.vector_store %arg4[%swap3A, %swap3A_21], %concatenate3A {strides = array<i32>} : memref<10000x128xf32, #tpu.memory_space<vmem>>, vector<10000x128xf32>,
    return
  }
}

module attributes {stable_mosaic.version = 14 : i64} {
  func.func @_block_kernel(%arg0: i32, %arg1: memref<12800x128xf32, #tpu.memory_space<vmem>>, %arg2: memref<400x128xf32, #tpu.memory_space<vmem>>, %arg3: memref<400x3xf32, #tpu.memory_space<vmem>>, %arg4: memref<3x15xf32, #tpu.memory_space<vmem>>, %arg5: memref<1x15xf32, #tpu.memory_space<vmem>>, %arg6: memref<960x64xf32, #tpu.memory_space<vmem>>, %arg7: memref<1x64xf32, #tpu.memory_space<vmem>>, %arg8: memref<64x256xf32, #tpu.memory_space<vmem>>, %arg9: memref<1x256xf32, #tpu.memory_space<vmem>>, %arg10: memref<128x256xf32, #tpu.memory_space<vmem>>, %arg11: memref<1x256xf32, #tpu.memory_space<vmem>>, %arg12: memref<400x256xf32, #tpu.memory_space<vmem>>) attributes {dimension_semantics = [#tpu.dimension_semantics<arbitrary>], iteration_bounds = array<i64: 6>, scalar_prefetch = 0 : i64, scratch_operands = 0 : i64, tpu.core_type = #tpu.core_type<tc>, window_params = [{transform_indices = @transform_0, window_bounds = array<i64: 12800, 128>}, {transform_indices = @transform_1, window_bounds = array<i64: 400, 128>}, {transform_indices = @transform_2, window_bounds = array<i64: 400, 3>}, {pipeline_mode = #tpu.pipeline_mode<synchronous>, transform_indices = @transform_3, window_bounds = array<i64: 3, 15>}, {pipeline_mode = #tpu.pipeline_mode<synchronous>, transform_indices = @transform_4, window_bounds = array<i64: 1, 15>}, {pipeline_mode = #tpu.pipeline_mode<synchronous>, transform_indices = @transform_5, window_bounds = array<i64: 960, 64>}, {pipeline_mode = #tpu.pipeline_mode<synchronous>, transform_indices = @transform_6, window_bounds = array<i64: 1, 64>}, {pipeline_mode = #tpu.pipeline_mode<synchronous>, transform_indices = @transform_7, window_bounds = array<i64: 64, 256>}, {pipeline_mode = #tpu.pipeline_mode<synchronous>, transform_indices = @transform_8, window_bounds = array<i64: 1, 256>}, {pipeline_mode = #tpu.pipeline_mode<synchronous>, transform_indices = @transform_9, window_bounds = array<i64: 128, 256>}, {pipeline_mode = #tpu.pipeline_mode<synchronous>, transform_indices = @transform_10, window_bounds = array<i64: 1, 256>}, {transform_indices = @transform_11, window_bounds = array<i64: 400, 256>}]} {
    %get3A = arith.constant 0 : index
    %get3A_0 = arith.constant 0 : index
    %get3A_1 = vector.load %arg1[%get3A, %get3A_0] : memref<12800x128xf32, #tpu.memory_space<vmem>>, vector<12800x128xf32>
    %slice3A = vector.extract_strided_slice %get3A_1 {offsets = [0, 0], sizes = [12800, 64], strides = [1, 1]} : vector<12800x128xf32> to vector<12800x64xf32>
    %slice3A_2 = vector.extract_strided_slice %get3A_1 {offsets = [0, 64], sizes = [12800, 3], strides = [1, 1]} : vector<12800x128xf32> to vector<12800x3xf32>
    %get3A_3 = arith.constant 0 : index
    %get3A_4 = arith.constant 0 : index
    %get3A_5 = vector.load %arg3[%get3A_3, %get3A_4] : memref<400x3xf32, #tpu.memory_space<vmem>>, vector<400x3xf32>
    %reshape3A = vector.shape_cast %slice3A_2 : vector<12800x3xf32> to vector<400x32x3xf32>
    %broadcast_in_dim3A = vector.shape_cast %get3A_5 : vector<400x3xf32> to vector<400x1x3xf32>
    %sub3A = vector.broadcast %broadcast_in_dim3A : vector<400x1x3xf32> to vector<400x32x3xf32>
    %sub3A_6 = arith.subf %reshape3A, %sub3A : vector<400x32x3xf32>
    %reshape3A_7 = vector.shape_cast %sub3A_6 : vector<400x32x3xf32> to vector<12800x3xf32>
    %mul3A = arith.mulf %reshape3A_7, %reshape3A_7 : vector<12800x3xf32>
    %reduce_sum3A = arith.constant dense<0.000000e+00> : vector<12800xf32>
    %reduce_sum3A_8 = vector.multi_reduction <add>, %mul3A, %reduce_sum3A [1] : vector<12800x3xf32> to vector<12800xf32>
    %broadcast_in_dim3A_9 = vector.shape_cast %reduce_sum3A_8 : vector<12800xf32> to vector<12800x1xf32>
    %get3A_10 = arith.constant 0 : index
    %get3A_11 = arith.constant 0 : index
    %get3A_12 = vector.load %arg4[%get3A_10, %get3A_11] : memref<3x15xf32, #tpu.memory_space<vmem>>, vector<3x15xf32>
    %dot_general3A = arith.constant dense<0.000000e+00> : vector<12800x15xf32>
    %dot_general3A_13 = tpu.matmul %reshape3A_7, %get3A_12, %dot_general3A {dimension_numbers = #tpu.dot_dimension_numbers<[1], [0], [0], [1], [0, 0, 1, 1], [], []>, transpose_lhs_hint = false} : vector<12800x3xf32>, vector<3x15xf32>, vector<12800x15xf32> -> vector<12800x15xf32>
    %sub3A_14 = vector.broadcast %broadcast_in_dim3A_9 : vector<12800x1xf32> to vector<12800x15xf32>
    %sub3A_15 = arith.subf %sub3A_14, %dot_general3A_13 : vector<12800x15xf32>
    %get3A_16 = arith.constant 0 : index
    %get3A_17 = arith.constant 0 : index
    %get3A_18 = vector.load %arg5[%get3A_16, %get3A_17] : memref<1x15xf32, #tpu.memory_space<vmem>>, vector<1x15xf32>
    %add3A = vector.broadcast %get3A_18 : vector<1x15xf32> to vector<12800x15xf32>
    %add3A_19 = arith.addf %sub3A_15, %add3A : vector<12800x15xf32>
    %max3A = arith.constant 0.000000e+00 : f32
    %max3A_20 = vector.broadcast %max3A : f32 to vector<12800x15xf32>
    %max3A_21 = arith.maximumf %add3A_19, %max3A_20 : vector<12800x15xf32>
    %add3A_22 = arith.constant 1.000000e-36 : f32
    %add3A_23 = vector.broadcast %add3A_22 : f32 to vector<12800x15xf32>
    %add3A_24 = arith.addf %max3A_21, %add3A_23 : vector<12800x15xf32>
    %rsqrt3A = math.rsqrt %add3A_24 : vector<12800x15xf32>
    %mul3A_25 = arith.mulf %max3A_21, %rsqrt3A : vector<12800x15xf32>
    %mul3A_26 = arith.constant 0.833333313 : f32
    %mul3A_27 = vector.broadcast %mul3A_26 : f32 to vector<12800x15xf32>
    %mul3A_28 = arith.mulf %mul3A_25, %mul3A_27 : vector<12800x15xf32>
    %sub3A_29 = arith.constant 1.000000e+00 : f32
    %sub3A_30 = vector.broadcast %sub3A_29 : f32 to vector<12800x15xf32>
    %sub3A_31 = arith.subf %sub3A_30, %mul3A_28 : vector<12800x15xf32>
    %max3A_32 = arith.constant 0.000000e+00 : f32
    %max3A_33 = vector.broadcast %max3A_32 : f32 to vector<12800x15xf32>
    %max3A_34 = arith.maximumf %sub3A_31, %max3A_33 : vector<12800x15xf32>
    %reshape3A_35 = vector.shape_cast %max3A_34 : vector<12800x15xf32> to vector<400x32x15xf32>
    %reshape3A_36 = vector.shape_cast %slice3A : vector<12800x64xf32> to vector<400x32x64xf32>
    %dot_general3A_37 = arith.constant dense<0.000000e+00> : vector<400x15x64xf32>
    %dot_general3A_38 = tpu.matmul %reshape3A_35, %reshape3A_36, %dot_general3A_37 {dimension_numbers = #tpu.dot_dimension_numbers<[1], [1], [2], [2], [0, 0, 0, 2, 1, 2], [0], [0]>, transpose_lhs_hint = false} : vector<400x32x15xf32>, vector<400x32x64xf32>, vector<400x15x64xf32> -> vector<400x15x64xf32>
    %reshape3A_39 = vector.shape_cast %dot_general3A_38 : vector<400x15x64xf32> to vector<400x960xf32>
    %get3A_40 = arith.constant 0 : index
    %get3A_41 = arith.constant 0 : index
    %get3A_42 = vector.load %arg6[%get3A_40, %get3A_41] : memref<960x64xf32, #tpu.memory_space<vmem>>, vector<960x64xf32>
    %dot_general3A_43 = arith.constant dense<0.000000e+00> : vector<400x64xf32>
    %dot_general3A_44 = tpu.matmul %reshape3A_39, %get3A_42, %dot_general3A_43 {dimension_numbers = #tpu.dot_dimension_numbers<[1], [0], [0], [1], [0, 0, 1, 1], [], []>, transpose_lhs_hint = false} : vector<400x960xf32>, vector<960x64xf32>, vector<400x64xf32> -> vector<400x64xf32>
    %get3A_45 = arith.constant 0 : index
    %get3A_46 = arith.constant 0 : index
    %get3A_47 = vector.load %arg7[%get3A_45, %get3A_46] : memref<1x64xf32, #tpu.memory_space<vmem>>, vector<1x64xf32>
    %add3A_48 = vector.broadcast %get3A_47 : vector<1x64xf32> to vector<400x64xf32>
    %add3A_49 = arith.addf %dot_general3A_44, %add3A_48 : vector<400x64xf32>
    %ge3A = arith.constant 0.000000e+00 : f32
    %ge3A_50 = vector.broadcast %ge3A : f32 to vector<400x64xf32>
    %ge3A_51 = arith.cmpf oge, %add3A_49, %ge3A_50 : vector<400x64xf32>
    %mul3A_52 = arith.constant 1.000000e-01 : f32
    %mul3A_53 = vector.broadcast %mul3A_52 : f32 to vector<400x64xf32>
    %mul3A_54 = arith.mulf %mul3A_53, %add3A_49 : vector<400x64xf32>
    %select_n3A = arith.select %ge3A_51, %add3A_49, %mul3A_54 : vector<400x64xi1>, vector<400x64xf32>
    %get3A_55 = arith.constant 0 : index
    %get3A_56 = arith.constant 0 : index
    %get3A_57 = vector.load %arg8[%get3A_55, %get3A_56] : memref<64x256xf32, #tpu.memory_space<vmem>>, vector<64x256xf32>
    %dot_general3A_58 = arith.constant dense<0.000000e+00> : vector<400x256xf32>
    %dot_general3A_59 = tpu.matmul %select_n3A, %get3A_57, %dot_general3A_58 {dimension_numbers = #tpu.dot_dimension_numbers<[1], [0], [0], [1], [0, 0, 1, 1], [], []>, transpose_lhs_hint = false} : vector<400x64xf32>, vector<64x256xf32>, vector<400x256xf32> -> vector<400x256xf32>
    %get3A_60 = arith.constant 0 : index
    %get3A_61 = arith.constant 0 : index
    %get3A_62 = vector.load %arg9[%get3A_60, %get3A_61] : memref<1x256xf32, #tpu.memory_space<vmem>>, vector<1x256xf32>
    %add3A_63 = vector.broadcast %get3A_62 : vector<1x256xf32> to vector<400x256xf32>
    %add3A_64 = arith.addf %dot_general3A_59, %add3A_63 : vector<400x256xf32>
    %get3A_65 = arith.constant 0 : index
    %get3A_66 = arith.constant 0 : index
    %get3A_67 = vector.load %arg2[%get3A_65, %get3A_66] : memref<400x128xf32, #tpu.memory_space<vmem>>, vector<400x128xf32>
    %get3A_68 = arith.constant 0 : index
    %get3A_69 = arith.constant 0 : index
    %get3A_70 = vector.load %arg10[%get3A_68, %get3A_69] : memref<128x256xf32, #tpu.memory_space<vmem>>, vector<128x256xf32>
    %dot_general3A_71 = arith.constant dense<0.000000e+00> : vector<400x256xf32>
    %dot_general3A_72 = tpu.matmul %get3A_67, %get3A_70, %dot_general3A_71 {dimension_numbers = #tpu.dot_dimension_numbers<[1], [0], [0], [1], [0, 0, 1, 1], [], []>, transpose_lhs_hint = false} : vector<400x128xf32>, vector<128x256xf32>, vector<400x256xf32> -> vector<400x256xf32>
    %get3A_73 = arith.constant 0 : index
    %get3A_74 = arith.constant 0 : index
    %get3A_75 = vector.load %arg11[%get3A_73, %get3A_74] : memref<1x256xf32, #tpu.memory_space<vmem>>, vector<1x256xf32>
    %add3A_76 = vector.broadcast %get3A_75 : vector<1x256xf32> to vector<400x256xf32>
    %add3A_77 = arith.addf %dot_general3A_72, %add3A_76 : vector<400x256xf32>
    %add3A_78 = arith.addf %add3A_64, %add3A_77 : vector<400x256xf32>
    %ge3A_79 = arith.constant 0.000000e+00 : f32
    %ge3A_80 = vector.broadcast %ge3A_79 : f32 to vector<400x256xf32>
    %ge3A_81 = arith.cmpf oge, %add3A_78, %ge3A_80 : vector<400x256xf32>
    %mul3A_82 = arith.constant 1.000000e-01 : f32
    %mul3A_83 = vector.broadcast %mul3A_82 : f32 to vector<400x256xf32>
    %mul3A_84 = arith.mulf %mul3A_83, %add3A_78 : vector<400x256xf32>
    %select_n3A_85 = arith.select %ge3A_81, %add3A_78, %mul3A_84 : vector<400x256xi1>, vector<400x256xf32>
    %swap3A = arith.constant 0 : index
    %swap3A_86 = arith.constant 0 : index
    %swap3A_87 = vector.load %arg12[%swap3A, %swap3A_86] : memref<400x256xf32, #tpu.memory_space<vmem>>, vector<400x256xf32>
    tpu.vector_store %arg12[%swap3A, %swap3A_86], %select_n3A_85 {strides = array<i32>} : memref<400x256xf32, #tpu.memory_space<vmem>>, vector<400x256xf32>,
    return
  }
  func.func @transform_0(%arg0: i32) -> (i32, i32) {
    %c0_i32 = arith.constant 0 : i32
    %c0_i32_0 = arith.constant 0 : i32
    return %arg0, %c0_i32 : i32, i32
  }
  func.func @transform_1(%arg0: i32) -> (i32, i32) {
    %c0_i32 = arith.constant 0 : i32
    %c0_i32_0 = arith.constant 0 : i32
    return %arg0, %c0_i32 : i32, i32
  }
  func.func @transform_2(%arg0: i32) -> (i32, i32) {
    %c0_i32 = arith.constant 0 : i32
    %c0_i32_0 = arith.constant 0 : i32
    return %arg0, %c0_i32 : i32, i32
  }
  func.func @transform_3(%arg0: i32) -> (i32, i32) {
    %c0_i32 = arith.constant 0 : i32
    %c0_i32_0 = arith.constant 0 : i32
    %c0_i32_1 = arith.constant 0 : i32
    return %c0_i32, %c0_i32_0 : i32, i32
  }
  func.func @transform_4(%arg0: i32) -> (i32, i32) {
    %c0_i32 = arith.constant 0 : i32
    %c0_i32_0 = arith.constant 0 : i32
    %c0_i32_1 = arith.constant 0 : i32
    return %c0_i32, %c0_i32_0 : i32, i32
  }
  func.func @transform_5(%arg0: i32) -> (i32, i32) {
    %c0_i32 = arith.constant 0 : i32
    %c0_i32_0 = arith.constant 0 : i32
    %c0_i32_1 = arith.constant 0 : i32
    return %c0_i32, %c0_i32_0 : i32, i32
  }
  func.func @transform_6(%arg0: i32) -> (i32, i32) {
    %c0_i32 = arith.constant 0 : i32
    %c0_i32_0 = arith.constant 0 : i32
    %c0_i32_1 = arith.constant 0 : i32
    return %c0_i32, %c0_i32_0 : i32, i32
  }
  func.func @transform_7(%arg0: i32) -> (i32, i32) {
    %c0_i32 = arith.constant 0 : i32
    %c0_i32_0 = arith.constant 0 : i32
    %c0_i32_1 = arith.constant 0 : i32
    return %c0_i32, %c0_i32_0 : i32, i32
  }
  func.func @transform_8(%arg0: i32) -> (i32, i32) {
    %c0_i32 = arith.constant 0 : i32
    %c0_i32_0 = arith.constant 0 : i32
    %c0_i32_1 = arith.constant 0 : i32
    return %c0_i32, %c0_i32_0 : i32, i32
  }
  func.func @transform_9(%arg0: i32) -> (i32, i32) {
    %c0_i32 = arith.constant 0 : i32
    %c0_i32_0 = arith.constant 0 : i32
    %c0_i32_1 = arith.constant 0 : i32
    return %c0_i32, %c0_i32_0 : i32, i32
  }
  func.func @transform_10(%arg0: i32) -> (i32, i32) {
    %c0_i32 = arith.constant 0 : i32
    %c0_i32_0 = arith.constant 0 : i32
    %c0_i32_1 = arith.constant 0 : i32
    return %c0_i32, %c0_i32_0 : i32, i32
  }
  func.func @transform_11(%arg0: i32) -> (i32, i32) {
    %c0_i32 = arith.constant 0 : i32
    %c0_i32_0 = arith.constant 0 : i32
    return %arg0, %c0_i32 : i32, i32
  }
}

module attributes {stable_mosaic.version = 14 : i64} {
  func.func @_block_kernel(%arg0: i32, %arg1: memref<12800x128xf32, #tpu.memory_space<vmem>>, %arg2: memref<400x128xf32, #tpu.memory_space<vmem>>, %arg3: memref<400x3xf32, #tpu.memory_space<vmem>>, %arg4: memref<3x15xf32, #tpu.memory_space<vmem>>, %arg5: memref<1x15xf32, #tpu.memory_space<vmem>>, %arg6: memref<960x64xf32, #tpu.memory_space<vmem>>, %arg7: memref<1x64xf32, #tpu.memory_space<vmem>>, %arg8: memref<64x256xf32, #tpu.memory_space<vmem>>, %arg9: memref<1x256xf32, #tpu.memory_space<vmem>>, %arg10: memref<128x256xf32, #tpu.memory_space<vmem>>, %arg11: memref<1x256xf32, #tpu.memory_space<vmem>>, %arg12: memref<400x256xf32, #tpu.memory_space<vmem>>) attributes {dimension_semantics = [#tpu.dimension_semantics<arbitrary>], iteration_bounds = array<i64: 7>, scalar_prefetch = 0 : i64, scratch_operands = 0 : i64, tpu.core_type = #tpu.core_type<tc>, window_params = [{transform_indices = @transform_0, window_bounds = array<i64: 12800, 128>}, {transform_indices = @transform_1, window_bounds = array<i64: 400, 128>}, {transform_indices = @transform_2, window_bounds = array<i64: 400, 3>}, {pipeline_mode = #tpu.pipeline_mode<synchronous>, transform_indices = @transform_3, window_bounds = array<i64: 3, 15>}, {pipeline_mode = #tpu.pipeline_mode<synchronous>, transform_indices = @transform_4, window_bounds = array<i64: 1, 15>}, {pipeline_mode = #tpu.pipeline_mode<synchronous>, transform_indices = @transform_5, window_bounds = array<i64: 960, 64>}, {pipeline_mode = #tpu.pipeline_mode<synchronous>, transform_indices = @transform_6, window_bounds = array<i64: 1, 64>}, {pipeline_mode = #tpu.pipeline_mode<synchronous>, transform_indices = @transform_7, window_bounds = array<i64: 64, 256>}, {pipeline_mode = #tpu.pipeline_mode<synchronous>, transform_indices = @transform_8, window_bounds = array<i64: 1, 256>}, {pipeline_mode = #tpu.pipeline_mode<synchronous>, transform_indices = @transform_9, window_bounds = array<i64: 128, 256>}, {pipeline_mode = #tpu.pipeline_mode<synchronous>, transform_indices = @transform_10, window_bounds = array<i64: 1, 256>}, {transform_indices = @transform_11, window_bounds = array<i64: 400, 256>}]} {
    %get3A = arith.constant 0 : index
    %get3A_0 = arith.constant 0 : index
    %get3A_1 = vector.load %arg1[%get3A, %get3A_0] : memref<12800x128xf32, #tpu.memory_space<vmem>>, vector<12800x128xf32>
    %slice3A = vector.extract_strided_slice %get3A_1 {offsets = [0, 0], sizes = [12800, 64], strides = [1, 1]} : vector<12800x128xf32> to vector<12800x64xf32>
    %slice3A_2 = vector.extract_strided_slice %get3A_1 {offsets = [0, 64], sizes = [12800, 3], strides = [1, 1]} : vector<12800x128xf32> to vector<12800x3xf32>
    %get3A_3 = arith.constant 0 : index
    %get3A_4 = arith.constant 0 : index
    %get3A_5 = vector.load %arg3[%get3A_3, %get3A_4] : memref<400x3xf32, #tpu.memory_space<vmem>>, vector<400x3xf32>
    %reshape3A = vector.shape_cast %slice3A_2 : vector<12800x3xf32> to vector<400x32x3xf32>
    %broadcast_in_dim3A = vector.shape_cast %get3A_5 : vector<400x3xf32> to vector<400x1x3xf32>
    %sub3A = vector.broadcast %broadcast_in_dim3A : vector<400x1x3xf32> to vector<400x32x3xf32>
    %sub3A_6 = arith.subf %reshape3A, %sub3A : vector<400x32x3xf32>
    %reshape3A_7 = vector.shape_cast %sub3A_6 : vector<400x32x3xf32> to vector<12800x3xf32>
    %mul3A = arith.mulf %reshape3A_7, %reshape3A_7 : vector<12800x3xf32>
    %reduce_sum3A = arith.constant dense<0.000000e+00> : vector<12800xf32>
    %reduce_sum3A_8 = vector.multi_reduction <add>, %mul3A, %reduce_sum3A [1] : vector<12800x3xf32> to vector<12800xf32>
    %broadcast_in_dim3A_9 = vector.shape_cast %reduce_sum3A_8 : vector<12800xf32> to vector<12800x1xf32>
    %get3A_10 = arith.constant 0 : index
    %get3A_11 = arith.constant 0 : index
    %get3A_12 = vector.load %arg4[%get3A_10, %get3A_11] : memref<3x15xf32, #tpu.memory_space<vmem>>, vector<3x15xf32>
    %dot_general3A = arith.constant dense<0.000000e+00> : vector<12800x15xf32>
    %dot_general3A_13 = tpu.matmul %reshape3A_7, %get3A_12, %dot_general3A {dimension_numbers = #tpu.dot_dimension_numbers<[1], [0], [0], [1], [0, 0, 1, 1], [], []>, transpose_lhs_hint = false} : vector<12800x3xf32>, vector<3x15xf32>, vector<12800x15xf32> -> vector<12800x15xf32>
    %sub3A_14 = vector.broadcast %broadcast_in_dim3A_9 : vector<12800x1xf32> to vector<12800x15xf32>
    %sub3A_15 = arith.subf %sub3A_14, %dot_general3A_13 : vector<12800x15xf32>
    %get3A_16 = arith.constant 0 : index
    %get3A_17 = arith.constant 0 : index
    %get3A_18 = vector.load %arg5[%get3A_16, %get3A_17] : memref<1x15xf32, #tpu.memory_space<vmem>>, vector<1x15xf32>
    %add3A = vector.broadcast %get3A_18 : vector<1x15xf32> to vector<12800x15xf32>
    %add3A_19 = arith.addf %sub3A_15, %add3A : vector<12800x15xf32>
    %max3A = arith.constant 0.000000e+00 : f32
    %max3A_20 = vector.broadcast %max3A : f32 to vector<12800x15xf32>
    %max3A_21 = arith.maximumf %add3A_19, %max3A_20 : vector<12800x15xf32>
    %add3A_22 = arith.constant 1.000000e-36 : f32
    %add3A_23 = vector.broadcast %add3A_22 : f32 to vector<12800x15xf32>
    %add3A_24 = arith.addf %max3A_21, %add3A_23 : vector<12800x15xf32>
    %rsqrt3A = math.rsqrt %add3A_24 : vector<12800x15xf32>
    %mul3A_25 = arith.mulf %max3A_21, %rsqrt3A : vector<12800x15xf32>
    %mul3A_26 = arith.constant 0.833333313 : f32
    %mul3A_27 = vector.broadcast %mul3A_26 : f32 to vector<12800x15xf32>
    %mul3A_28 = arith.mulf %mul3A_25, %mul3A_27 : vector<12800x15xf32>
    %sub3A_29 = arith.constant 1.000000e+00 : f32
    %sub3A_30 = vector.broadcast %sub3A_29 : f32 to vector<12800x15xf32>
    %sub3A_31 = arith.subf %sub3A_30, %mul3A_28 : vector<12800x15xf32>
    %max3A_32 = arith.constant 0.000000e+00 : f32
    %max3A_33 = vector.broadcast %max3A_32 : f32 to vector<12800x15xf32>
    %max3A_34 = arith.maximumf %sub3A_31, %max3A_33 : vector<12800x15xf32>
    %reshape3A_35 = vector.shape_cast %max3A_34 : vector<12800x15xf32> to vector<400x32x15xf32>
    %reshape3A_36 = vector.shape_cast %slice3A : vector<12800x64xf32> to vector<400x32x64xf32>
    %dot_general3A_37 = arith.constant dense<0.000000e+00> : vector<400x15x64xf32>
    %dot_general3A_38 = tpu.matmul %reshape3A_35, %reshape3A_36, %dot_general3A_37 {dimension_numbers = #tpu.dot_dimension_numbers<[1], [1], [2], [2], [0, 0, 0, 2, 1, 2], [0], [0]>, transpose_lhs_hint = false} : vector<400x32x15xf32>, vector<400x32x64xf32>, vector<400x15x64xf32> -> vector<400x15x64xf32>
    %reshape3A_39 = vector.shape_cast %dot_general3A_38 : vector<400x15x64xf32> to vector<400x960xf32>
    %get3A_40 = arith.constant 0 : index
    %get3A_41 = arith.constant 0 : index
    %get3A_42 = vector.load %arg6[%get3A_40, %get3A_41] : memref<960x64xf32, #tpu.memory_space<vmem>>, vector<960x64xf32>
    %dot_general3A_43 = arith.constant dense<0.000000e+00> : vector<400x64xf32>
    %dot_general3A_44 = tpu.matmul %reshape3A_39, %get3A_42, %dot_general3A_43 {dimension_numbers = #tpu.dot_dimension_numbers<[1], [0], [0], [1], [0, 0, 1, 1], [], []>, transpose_lhs_hint = false} : vector<400x960xf32>, vector<960x64xf32>, vector<400x64xf32> -> vector<400x64xf32>
    %get3A_45 = arith.constant 0 : index
    %get3A_46 = arith.constant 0 : index
    %get3A_47 = vector.load %arg7[%get3A_45, %get3A_46] : memref<1x64xf32, #tpu.memory_space<vmem>>, vector<1x64xf32>
    %add3A_48 = vector.broadcast %get3A_47 : vector<1x64xf32> to vector<400x64xf32>
    %add3A_49 = arith.addf %dot_general3A_44, %add3A_48 : vector<400x64xf32>
    %ge3A = arith.constant 0.000000e+00 : f32
    %ge3A_50 = vector.broadcast %ge3A : f32 to vector<400x64xf32>
    %ge3A_51 = arith.cmpf oge, %add3A_49, %ge3A_50 : vector<400x64xf32>
    %mul3A_52 = arith.constant 1.000000e-01 : f32
    %mul3A_53 = vector.broadcast %mul3A_52 : f32 to vector<400x64xf32>
    %mul3A_54 = arith.mulf %mul3A_53, %add3A_49 : vector<400x64xf32>
    %select_n3A = arith.select %ge3A_51, %add3A_49, %mul3A_54 : vector<400x64xi1>, vector<400x64xf32>
    %get3A_55 = arith.constant 0 : index
    %get3A_56 = arith.constant 0 : index
    %get3A_57 = vector.load %arg8[%get3A_55, %get3A_56] : memref<64x256xf32, #tpu.memory_space<vmem>>, vector<64x256xf32>
    %dot_general3A_58 = arith.constant dense<0.000000e+00> : vector<400x256xf32>
    %dot_general3A_59 = tpu.matmul %select_n3A, %get3A_57, %dot_general3A_58 {dimension_numbers = #tpu.dot_dimension_numbers<[1], [0], [0], [1], [0, 0, 1, 1], [], []>, transpose_lhs_hint = false} : vector<400x64xf32>, vector<64x256xf32>, vector<400x256xf32> -> vector<400x256xf32>
    %get3A_60 = arith.constant 0 : index
    %get3A_61 = arith.constant 0 : index
    %get3A_62 = vector.load %arg9[%get3A_60, %get3A_61] : memref<1x256xf32, #tpu.memory_space<vmem>>, vector<1x256xf32>
    %add3A_63 = vector.broadcast %get3A_62 : vector<1x256xf32> to vector<400x256xf32>
    %add3A_64 = arith.addf %dot_general3A_59, %add3A_63 : vector<400x256xf32>
    %get3A_65 = arith.constant 0 : index
    %get3A_66 = arith.constant 0 : index
    %get3A_67 = vector.load %arg2[%get3A_65, %get3A_66] : memref<400x128xf32, #tpu.memory_space<vmem>>, vector<400x128xf32>
    %get3A_68 = arith.constant 0 : index
    %get3A_69 = arith.constant 0 : index
    %get3A_70 = vector.load %arg10[%get3A_68, %get3A_69] : memref<128x256xf32, #tpu.memory_space<vmem>>, vector<128x256xf32>
    %dot_general3A_71 = arith.constant dense<0.000000e+00> : vector<400x256xf32>
    %dot_general3A_72 = tpu.matmul %get3A_67, %get3A_70, %dot_general3A_71 {dimension_numbers = #tpu.dot_dimension_numbers<[1], [0], [0], [1], [0, 0, 1, 1], [], []>, transpose_lhs_hint = false} : vector<400x128xf32>, vector<128x256xf32>, vector<400x256xf32> -> vector<400x256xf32>
    %get3A_73 = arith.constant 0 : index
    %get3A_74 = arith.constant 0 : index
    %get3A_75 = vector.load %arg11[%get3A_73, %get3A_74] : memref<1x256xf32, #tpu.memory_space<vmem>>, vector<1x256xf32>
    %add3A_76 = vector.broadcast %get3A_75 : vector<1x256xf32> to vector<400x256xf32>
    %add3A_77 = arith.addf %dot_general3A_72, %add3A_76 : vector<400x256xf32>
    %add3A_78 = arith.addf %add3A_64, %add3A_77 : vector<400x256xf32>
    %ge3A_79 = arith.constant 0.000000e+00 : f32
    %ge3A_80 = vector.broadcast %ge3A_79 : f32 to vector<400x256xf32>
    %ge3A_81 = arith.cmpf oge, %add3A_78, %ge3A_80 : vector<400x256xf32>
    %mul3A_82 = arith.constant 1.000000e-01 : f32
    %mul3A_83 = vector.broadcast %mul3A_82 : f32 to vector<400x256xf32>
    %mul3A_84 = arith.mulf %mul3A_83, %add3A_78 : vector<400x256xf32>
    %select_n3A_85 = arith.select %ge3A_81, %add3A_78, %mul3A_84 : vector<400x256xi1>, vector<400x256xf32>
    %swap3A = arith.constant 0 : index
    %swap3A_86 = arith.constant 0 : index
    %swap3A_87 = vector.load %arg12[%swap3A, %swap3A_86] : memref<400x256xf32, #tpu.memory_space<vmem>>, vector<400x256xf32>
    tpu.vector_store %arg12[%swap3A, %swap3A_86], %select_n3A_85 {strides = array<i32>} : memref<400x256xf32, #tpu.memory_space<vmem>>, vector<400x256xf32>,
    return
  }
  func.func @transform_0(%arg0: i32) -> (i32, i32) {
    %c0_i32 = arith.constant 0 : i32
    %c0_i32_0 = arith.constant 0 : i32
    return %arg0, %c0_i32 : i32, i32
  }
  func.func @transform_1(%arg0: i32) -> (i32, i32) {
    %c0_i32 = arith.constant 0 : i32
    %c0_i32_0 = arith.constant 0 : i32
    return %arg0, %c0_i32 : i32, i32
  }
  func.func @transform_2(%arg0: i32) -> (i32, i32) {
    %c0_i32 = arith.constant 0 : i32
    %c0_i32_0 = arith.constant 0 : i32
    return %arg0, %c0_i32 : i32, i32
  }
  func.func @transform_3(%arg0: i32) -> (i32, i32) {
    %c0_i32 = arith.constant 0 : i32
    %c0_i32_0 = arith.constant 0 : i32
    %c0_i32_1 = arith.constant 0 : i32
    return %c0_i32, %c0_i32_0 : i32, i32
  }
  func.func @transform_4(%arg0: i32) -> (i32, i32) {
    %c0_i32 = arith.constant 0 : i32
    %c0_i32_0 = arith.constant 0 : i32
    %c0_i32_1 = arith.constant 0 : i32
    return %c0_i32, %c0_i32_0 : i32, i32
  }
  func.func @transform_5(%arg0: i32) -> (i32, i32) {
    %c0_i32 = arith.constant 0 : i32
    %c0_i32_0 = arith.constant 0 : i32
    %c0_i32_1 = arith.constant 0 : i32
    return %c0_i32, %c0_i32_0 : i32, i32
  }
  func.func @transform_6(%arg0: i32) -> (i32, i32) {
    %c0_i32 = arith.constant 0 : i32
    %c0_i32_0 = arith.constant 0 : i32
    %c0_i32_1 = arith.constant 0 : i32
    return %c0_i32, %c0_i32_0 : i32, i32
  }
  func.func @transform_7(%arg0: i32) -> (i32, i32) {
    %c0_i32 = arith.constant 0 : i32
    %c0_i32_0 = arith.constant 0 : i32
    %c0_i32_1 = arith.constant 0 : i32
    return %c0_i32, %c0_i32_0 : i32, i32
  }
  func.func @transform_8(%arg0: i32) -> (i32, i32) {
    %c0_i32 = arith.constant 0 : i32
    %c0_i32_0 = arith.constant 0 : i32
    %c0_i32_1 = arith.constant 0 : i32
    return %c0_i32, %c0_i32_0 : i32, i32
  }
  func.func @transform_9(%arg0: i32) -> (i32, i32) {
    %c0_i32 = arith.constant 0 : i32
    %c0_i32_0 = arith.constant 0 : i32
    %c0_i32_1 = arith.constant 0 : i32
    return %c0_i32, %c0_i32_0 : i32, i32
  }
  func.func @transform_10(%arg0: i32) -> (i32, i32) {
    %c0_i32 = arith.constant 0 : i32
    %c0_i32_0 = arith.constant 0 : i32
    %c0_i32_1 = arith.constant 0 : i32
    return %c0_i32, %c0_i32_0 : i32, i32
  }
  func.func @transform_11(%arg0: i32) -> (i32, i32) {
    %c0_i32 = arith.constant 0 : i32
    %c0_i32_0 = arith.constant 0 : i32
    return %arg0, %c0_i32 : i32, i32
  }
}

</mosaic_0001>

<sc_bundles>
// kernel: kernel.11.cloned.1.call-start
scs
__scs_entry_jumppad:
0x0: {  	(pc) =	sbr.rel $0x88, $3  }
0x1: {  	(tag) =	ssettag $0x0;
	lr =	simm.s32 $0x1  }
0x2: {  	[smem:$0x3F95] =	sst lr;
	_ =	strace $0xD0000000  }
0x3: {  	_ = 	snop  }
0x4: {  	_ = 	snop  }
0x5: {  	_ = 	snop  }
0x6: {  	_ = 	snop  }
0x7: {  	_ = 	snop  }
__scs_overlays_trampoline_lowered:
0x8: {  	[smem:$0x3FA4] =	sst s0  }
0x9: {  	[smem:$0x3FA5] =	sst s1  }
0xa: {  	[smem:$0x3FA6] =	sst s2  }
0xb: {  	[smem:$0x3FA7] =	sst s3  }
0xc: {  	[smem:$0x3FA8] =	sst s4  }
0xd: {  	[smem:$0x3FA9] =	sst s5  }
0xe: {  	[smem:$0x3FAA] =	sst s6  }
0xf: {  	[smem:$0x3FAB] =	sst s7  }
0x10: {  	[smem:$0x3FAC] =	sst s8  }
0x11: {  	[smem:$0x3FAD] =	sst s9;
	s0 =	simm.s32 @!p0 $0x0  }
0x12: {  	s1 =	sld [smem:$0x3F93];
	s0 =	simm.s32 @p0 $0x1  }
0x13: {  	[smem:$0x3FAE] =	sst s0;
	s0 =	simm.s32 @!p1 $0x0  }
0x14: {  	s2 =	sld [smem:$0x3F92];
	s0 =	simm.s32 @p1 $0x1  }
0x15: {  	[smem:$0x3FAF] =	sst s0;
	s0 =	simm.s32 @!p2 $0x0  }
0x16: {  	s3 =	sld [smem:$0x3FDB];
	s0 =	simm.s32 @p2 $0x1  }
0x17: {  	s4 =	simm.s32 $0x1BF5;
	[smem:$0x3FB1] =	sst s0  }
0x18: {  	s0 =	sld [smem:$0x3F94];
	_ =	swait.ge [sflag:s4], $0x0  }
0x19: {  	s7 =	sld [smem:$0x3F95]  }
0x1a: {  	s8 =	sadd.s32 $0xFFFFE003, lr  }
0x1b: {  	s9 =	sadd.s32 $0xFFFFFEF7, lr;
	s5 =	simm.s32 $0xFFFFFFFF;
	p2 =	slt.u32 s8, $0xFFFFF086  }
0x1c: {  	p1 =	slt.u32 s9, $0xF7A;
	s5 =	simm.s32 @!p2 $0x0  }
0x1d: {  	s5 =	simm.s32 @p1 $0x1;
	p0 =	seq.s32 s7, s2  }
0x1e: {  	s7 =	smul.u32 @!p0 $0xF7A, s2;
	p2 =	seq.s32 @!p0 s5, $0x0  }
0x1f: {  	s9 =	smul.u32 $0xF7A, s1;
	s8 =	simm.s32 @!p0 $0x1BF5;
	p2 =	por !p2, p0  }
0x20: {  	[sflag:s8] =	ssyncset.s32 @!p0 $0xFFFFF086;
	s6 =	sadd.s32 @!p0 s3, s7;
	s7 =	simm.s32 @!p0 $0x108  }
0x21: {  	s3 =	sadd.s32 s3, s9;
	s6 =	sadd.s32 @!p0 $0x88, s6;
	s7 =	simm.s32 @p2 $0x1082  }
0x22: {  	[simem:s7], [sflag:s8] =	dma.local @!p0 [hbm:s6], $0xF7A  }
0x23: {  	s9 =	sor.u32 $0xD0000000, s2;
	s6 =	simm.s32 $0x108;
	_ =	swait.ge @!p0 [sflag:s8], $0x0  }
0x24: {  	s3 =	sadd.s32 $0x88, s3;
	s6 =	simm.s32 @!p1 $0x1082;
	[sflag:s4] =	ssyncset.s32 $0xFFFFF086  }
0x25: {  	[simem:s6], [sflag:s4] =	dma.local [hbm:s3], $0xF7A  }
0x26: {  	[smem:$0x3F95] =	sst s1;
	(tag) =	ssettag s2;
	_ =	strace s9  }
0x27: {  	s1 =	sld [smem:$0x3FA5]  }
0x28: {  	s2 =	sld [smem:$0x3FA6]  }
0x29: {  	s4 =	sld [smem:$0x3FA8]  }
0x2a: {  	p0 =	seq.s32 s5, $0x0;
	s5 =	sld [smem:$0x3FA9]  }
0x2b: {  	s6 =	sld [smem:$0x3FAA]  }
0x2c: {  	s7 =	sld [smem:$0x3FAB]  }
0x2d: {  	s3 =	simm.s32 $0x108;
	s8 =	sld [smem:$0x3FAC]  }
0x2e: {  	s3 =	simm.s32 @!p0 $0x1082;
	s9 =	sld [smem:$0x3FAD]  }
0x2f: {  	lr =	sadd.s32 s0, s3;
	s0 =	sld [smem:$0x3FA4]  }
0x30: {  	s3 =	sld [smem:$0x3FA7]  }
0x31: {  	[smem:$0x3FB0] =	sst s10  }
0x32: {  	s10 =	sld [smem:$0x3FAE];
	_ =	sdelay $0x3  }
0x33: {  	p0 =	seq.s32 s10, $0x1;
	s10 =	sld [smem:$0x3FB0];
	_ =	sdelay $0x3  }
0x34: {  	[smem:$0x3FB0] =	sst s10  }
0x35: {  	s10 =	sld [smem:$0x3FAF];
	_ =	sdelay $0x3  }
0x36: {  	p1 =	seq.s32 s10, $0x1;
	s10 =	sld [smem:$0x3FB0];
	_ =	sdelay $0x3  }
0x37: {  	[smem:$0x3FB0] =	sst s10  }
0x38: {  	s10 =	sld [smem:$0x3FB1]  }
0x39: {  	_ = 	snop;
	(pc) =	sbr.ind lr, $3  }
0x3a: {  	_ = 	snop  }
0x3b: {  	_ = 	snop  }
0x3c: {  	p2 =	seq.s32 s10, $0x1;
	s10 =	sld [smem:$0x3FB0]  }
0x3d: {  	_ =	shalt  }
0x3e: {  	_ =	shalt  }
0x3f: {  	_ =	shalt  }
0x40: {  	_ =	shalt  }
0x41: {  	_ =	shalt  }
0x42: {  	_ =	shalt  }
0x43: {  	_ =	shalt  }
0x44: {  	_ =	shalt  }
0x45: {  	_ =	shalt  }
0x46: {  	_ =	shalt  }
0x47: {  	_ =	shalt  }
0x48: {  	_ =	shalt  }
0x49: {  	_ =	shalt  }
0x4a: {  	_ =	shalt  }
0x4b: {  	_ =	shalt  }
0x4c: {  	_ =	shalt  }
0x4d: {  	_ =	shalt  }
0x4e: {  	_ =	shalt  }
0x4f: {  	_ =	shalt  }
0x50: {  	_ =	shalt  }
0x51: {  	_ =	shalt  }
0x52: {  	_ =	shalt  }
0x53: {  	_ =	shalt  }
0x54: {  	_ =	shalt  }
0x55: {  	_ =	shalt  }
0x56: {  	_ =	shalt  }
0x57: {  	_ =	shalt  }
0x58: {  	_ =	shalt  }
0x59: {  	_ =	shalt  }
0x5a: {  	_ =	shalt  }
0x5b: {  	_ =	shalt  }
0x5c: {  	_ =	shalt  }
0x5d: {  	_ =	shalt  }
0x5e: {  	_ =	shalt  }
0x5f: {  	_ =	shalt  }
0x60: {  	_ =	shalt  }
0x61: {  	_ =	shalt  }
0x62: {  	_ =	shalt  }
0x63: {  	_ =	shalt  }
0x64: {  	_ =	shalt  }
0x65: {  	_ =	shalt  }
0x66: {  	_ =	shalt  }
0x67: {  	_ =	shalt  }
0x68: {  	_ =	shalt  }
0x69: {  	_ =	shalt  }
0x6a: {  	_ =	shalt  }
0x6b: {  	_ =	shalt  }
0x6c: {  	_ =	shalt  }
0x6d: {  	_ =	shalt  }
0x6e: {  	_ =	shalt  }
0x6f: {  	_ =	shalt  }
0x70: {  	_ =	shalt  }
0x71: {  	_ =	shalt  }
0x72: {  	_ =	shalt  }
0x73: {  	_ =	shalt  }
0x74: {  	_ =	shalt  }
0x75: {  	_ =	shalt  }
0x76: {  	_ =	shalt  }
0x77: {  	_ =	shalt  }
0x78: {  	_ =	shalt  }
0x79: {  	_ =	shalt  }
0x7a: {  	_ =	shalt  }
0x7b: {  	_ =	shalt  }
0x7c: {  	_ =	shalt  }
0x7d: {  	_ =	shalt  }
0x7e: {  	_ =	shalt  }
0x7f: {  	_ =	shalt  }
0x80: {  	_ =	shalt  }
0x81: {  	_ =	shalt  }
0x82: {  	_ =	shalt  }
0x83: {  	_ =	shalt  }
0x84: {  	_ =	shalt  }
0x85: {  	_ =	shalt  }
0x86: {  	_ =	shalt  }
0x87: {  	_ =	shalt  }
.Lfunc_end0:
.L_simem_size_0:
called_computation_lowered:
.L_overlay_start_0:
0x88: {  	s2 =	sld [smem:$0x3FD9]  }
0x89: {  	s3 =	sld [smem:$0x3FFE];
	_ =	sdelay $0x1  }
0x8a: {  	s1 =	srdreg.scid  }
0x8b: {  	s0 =	sand.u32 $0x1, s1  }
0x8c: {  	s17 =	sshll.u32 s0, $0xA;
	s2 =	sadd.s32 s3, s2  }
0x8d: {  	s2 =	sadd.s32 s2, s17  }
0x8e: {  	[smem:$0x3FBC] =	sst s2  }
0x8f: {  	_ = 	snop  }
0x90: {  	s18 =	sld [smem:$0x3FD0];
	(tm) =	ssettm $0x1  }
0x91: {  	s19 =	sld [smem:$0x3FFB];
	_ =	sdelay $0x3  }
0x92: {  	_ =	strace s19  }
0x93: {  	s2 =	sld [smem:$0x3FFC];
	_ =	sdelay $0x3  }
0x94: {  	_ =	strace s2  }
0x95: {  	s2 =	sld [smem:$0x3FFD];
	_ =	sdelay $0x3  }
0x96: {  	_ =	strace s2  }
0x97: {  	_ =	strace $0x8FFFFFFF  }
0x98: {  	s20 =	sld [smem:$0x3FDB];
	_ =	sdelay $0x1  }
0x99: {  	s4 =	simm.s32 $_scs_section_size  }
0x9a: {  	s5 =	simm.s32 $_size__tile_overlayer_lowered;
	s6 =	simm.s32 $_tile_overlayer_lowered  }
0x9b: {  	s7 =	simm.s32 $0x1BFF;
	s21 =	sshll.u32 s6, $0x1;
	s4 =	sadd.s32 s4, s20  }
0x9c: {  	s22 =	simm.s32 $0x0;
	s5 =	sshll.u32 s5, $0x1;
	s6 =	sadd.s32 s21, s4  }
0x9d: {  	[timem:s22], [sflag:s7] =	dma.local [hbm:s6], s5  }
0x9e: {  	_ =	swait.ge [sflag:s7], s5  }
0x9f: {  	s5 =	ssub.s32 $0x0, s5;
	[sflag:s7] =	ssyncset.done $0x0  }
0xa0: {  	[sflag:s7] =	ssyncadd.s32 s5;
	_ =	sdelay $0x1  }
0xa1: {  	s23 =	simm.s32 $0x1B8B  }
0xa2: {  	_ =	swait.ge [sflag:s23], $0x1  }
0xa3: {  	[sflag:s23] =	ssyncset.done $0x0  }
0xa4: {  	[sflag:s23] =	ssyncadd.s32 $0xFFFFFFFF  }
0xa5: {  	s5 =	sld [smem:$0x0]  }
0xa6: {  	s6 =	sand.u32 $0xFFFFFFFE, s1  }
0xa7: {  	p0 =	sne.s32 s1, s6  }
0xa8: {  	s6 =	sshll.u32 @p0 s6, $0xE  }
0xa9: {  	s6 =	sadd.s32 @p0 $0x11B8D, s6;
	s7 =	sshll.u32 @p0 s5, $0x11  }
0xaa: {  	s6 =	sor.u32 @p0 s7, s6  }
0xab: {  	[sflag:s6] =	ssyncadd.remote.s32 @p0 $0x1;
	_ =	sdelay $0x1  }
0xac: {  	s6 =	simm.s32 @p0 $0x1B8D  }
0xad: {  	_ =	swait.eq @p0 [sflag:s6], $0x1  }
0xae: {  	[sflag:s6] =	ssyncadd.s32 @p0 $0xFFFFFFFF  }
0xaf: {  	s7 =	sshll.u32 @!p0 s1, $0xE  }
0xb0: {  	s7 =	sor.u32 @!p0 $0x4000, s7;
	s6 =	simm.s32 @!p0 $0x1B8D  }
0xb1: {  	s5 =	sshll.u32 @!p0 s5, $0x11;
	s7 =	sadd.s32 @!p0 $0x11B8D, s7;
	_ =	swait.eq @!p0 [sflag:s6], $0x1  }
0xb2: {  	s5 =	sor.u32 @!p0 s5, s7;
	[sflag:s6] =	ssyncadd.s32 @!p0 $0xFFFFFFFF  }
0xb3: {  	s25 =	simm.s32 $0x1B8E;
	s24 =	sld [smem:$0x3FFE];
	[sflag:s5] =	ssyncadd.remote.s32 @!p0 $0x1  }
0xb4: {  	s26 =	simm.s32 $execute0_lowered;
	[smem:$0x3FD2] =	sst s25  }
0xb5: {  	s6 =	sshll.u32 s26, $0x1;
	_ =	strace $0x8000004C;
	[dreg:$0x1] =	wrdreg $0xFFFFFFFF  }
0xb6: {  	s28 =	simm.s32 $_size_execute0_lowered;
	s4 =	sadd.s32 s4, s6;
	[dreg:$0x0] =	wrdreg $0x0  }
0xb7: {  	s6 =	sshll.u32 s28, $0x1;
	[dreg:$0x2] =	wrdreg s4  }
0xb8: {  	[dreg:$0x3] =	wrdreg s6  }
0xb9: {  	[dreg:$0x4] =	wrdreg $0xC0  }
0xba: {  	_ =	task [dreg:s22], $0x5FFFF  }
0xbb: {  	[dreg:$0x1] =	wrdreg $0xFFFFFFFF  }
0xbc: {  	[dreg:$0x0] =	wrdreg $0x60  }
0xbd: {  	[dreg:$0x2] =	wrdreg s18  }
0xbe: {  	[dreg:$0x3] =	wrdreg s24  }
0xbf: {  	[dreg:$0x4] =	wrdreg $0x9  }
0xc0: {  	_ =	task.clear_ibuf [dreg:s22], $0x5FFFF;
	_ =	strace $0x9000004C  }
0xc1: {  	s29 =	simm.s32 $0x9;
	_ =	strace $0x8000004E  }
0xc2: {  	_ =	swait.ge [sflag:s29], $0x1  }
0xc3: {  	[sflag:s29] =	ssyncadd.s32 $0xFFFFFFFF  }
0xc4: {  	_ =	strace $0x9000004E  }
0xc5: {  	_ =	sfence  }
0xc6: {  	s30 =	sld [smem:$0x0];
	_ =	sdelay $0x2  }
0xc7: {  	s31 =	sshll.u32 s1, $0xD;
	s1 =	sshrl.u32 s1, $0x2  }
0xc8: {  	s4 =	sand.u32 $0x4000, s31;
	s1 =	sadd.s32 s1, s30  }
0xc9: {  	s0 =	sor.u32 s4, s0;
	s1 =	sshll.u32 s1, $0x11  }
0xca: {  	s0 =	sor.u32 s1, s0  }
0xcb: {  	s0 =	sadd.s32 $0x8F2B, s0  }
0xcc: {  	[sflag:s0] =	ssyncadd.remote.s32 $0x1  }
0xcd: {  	_ =	sfence.sel $0xFFFF  }
0xce: {  	[dreg:$0x0] =	wrdreg $0xFFFFFFFF;
	(pc) =	sbr.abs _section_cstart, $3  }
0xcf: {  	[dreg:$0x1] =	wrdreg $0xFFFFFFFF  }
0xd0: {  	_ =	task.clear_ibuf [dreg:s22], $0x2FFFF;
	_ =	strace $0x9FFFFFFF  }
0xd1: {  	(tm) =	ssettm $0x7FFFFFFF  }
tec
execute0_lowered:
.L_overlay_start_1:
0x0: {  	(tag) =	ssettag $0x1  }
0x1: {  	s1 =	srdreg.scid;
	s0 =	stileid.u32  }
0x2: {  	s19 =	sand.u32 $0x1, s1;
	s26 =	sshll.u32 s0, $0x1  }
0x3: {  	s2 =	rddreg [dreg:$0x0];
	s9 =	sor.u32 s19, s26  }
0x4: {  	s10 =	rddreg [dreg:$0x1];
	s20 =	smul.u32 $0x960, s9  }
0x5: {  	s3 =	simm.s32 $0x0;
	s1 =	rddreg [dreg:$0x2]  }
0x6: {  	[smem:$0x7FF] =	sst s3;
	s18 =	sadd.s32 $0x292400, s10;
	s4 =	sshrl.u32 s20, $0x3  }
0x7: {  	_ =	strace $0x8000004D;
	s5 =	sadd.s32 s18, s4;
	s4 =	simm.s32 $0x2  }
0x8: {  	[tilespmem:s3], [sflag:$0x2] =	stream.linear.gather [hbm4b:s5+s3], $0x190, $0x38;
	[tilespmem:$0xCA00] =	vst v63  }
0x9: {  	_ =	swait.ge [sflag:s4], $0x190  }
0xa: {  	s6 =	simm.s32 $0x190;
	[sflag:s4] =	ssyncset.done $0x0  }
0xb: {  	s7 =	simm.s32 $0x200;
	s8 =	simm.s32 $0x1;
	[sflag:s4] =	ssyncadd.s32 $0xFFFFFE70  }
0xc: {  	[tilespmem:s7], [sflag:$0x1] =	stream.indirect.gather [hbm4b:s2+s6], $0x80, s3, s6, $0xb8;
	[tilespmem:$0xCA00] =	vst v63  }
0xd: {  	s9 =	smul.u32 $0x9600, s9;
	_ =	swait.ge [sflag:s8], $0xC800  }
0xe: {  	s21 =	sadd.s32 $0x294A00, s10;
	[sflag:s8] =	ssyncset.done $0x0  }
0xf: {  	s9 =	sadd.s32 s21, s9;
	[sflag:s8] =	ssyncadd.s32 $0xFFFF3800  }
0x10: {  	[hbm4b:s9+s3] =	stream.linear.scatter [tilespmem:s7], [sflag:$0x2], $0xC800, $0x38;
	[tilespmem:$0xCA00] =	vst v63  }
0x11: {  	s11 =	sadd.s32 $0x190, s20;
	_ =	swait.ge [sflag:s4], $0xC800  }
0x12: {  	s28 =	sshrl.u32 s11, $0x3;
	[sflag:s4] =	ssyncset.done $0x0  }
0x13: {  	s10 =	sadd.s32 s18, s28;
	[sflag:s4] =	ssyncadd.s32 $0xFFFF3800  }
0x14: {  	[tilespmem:s3], [sflag:$0x2] =	stream.linear.gather [hbm4b:s10+s3], $0x190, $0x38;
	[tilespmem:$0xCA00] =	vst v63  }
0x15: {  	_ =	swait.ge [sflag:s4], $0x190  }
0x16: {  	[sflag:s4] =	ssyncset.done $0x0  }
0x17: {  	[sflag:s4] =	ssyncadd.s32 $0xFFFFFE70  }
0x18: {  	[tilespmem:s7], [sflag:$0x1] =	stream.indirect.gather [hbm4b:s2+s6], $0x80, s3, s6, $0xb8;
	[tilespmem:$0xCA00] =	vst v63  }
0x19: {  	_ =	swait.ge [sflag:s8], $0xC800  }
0x1a: {  	s11 =	sshll.u32 s11, $0x4;
	[sflag:s8] =	ssyncset.done $0x0  }
0x1b: {  	s11 =	sadd.s32 s21, s11;
	[sflag:s8] =	ssyncadd.s32 $0xFFFF3800  }
0x1c: {  	[hbm4b:s11+s3] =	stream.linear.scatter [tilespmem:s7], [sflag:$0x2], $0xC800, $0x38;
	[tilespmem:$0xCA00] =	vst v63  }
0x1d: {  	s13 =	sadd.s32 $0x320, s20;
	_ =	swait.ge [sflag:s4], $0xC800  }
0x1e: {  	s12 =	sshrl.u32 s13, $0x3;
	[sflag:s4] =	ssyncset.done $0x0  }
0x1f: {  	s12 =	sadd.s32 s18, s12;
	[sflag:s4] =	ssyncadd.s32 $0xFFFF3800  }
0x20: {  	[tilespmem:s3], [sflag:$0x2] =	stream.linear.gather [hbm4b:s12+s3], $0x190, $0x38;
	[tilespmem:$0xCA00] =	vst v63  }
0x21: {  	_ =	swait.ge [sflag:s4], $0x190  }
0x22: {  	[sflag:s4] =	ssyncset.done $0x0  }
0x23: {  	[sflag:s4] =	ssyncadd.s32 $0xFFFFFE70  }
0x24: {  	[tilespmem:s7], [sflag:$0x1] =	stream.indirect.gather [hbm4b:s2+s6], $0x80, s3, s6, $0xb8;
	[tilespmem:$0xCA00] =	vst v63  }
0x25: {  	_ =	swait.ge [sflag:s8], $0xC800  }
0x26: {  	s13 =	sshll.u32 s13, $0x4;
	[sflag:s8] =	ssyncset.done $0x0  }
0x27: {  	s13 =	sadd.s32 s21, s13;
	[sflag:s8] =	ssyncadd.s32 $0xFFFF3800  }
0x28: {  	[hbm4b:s13+s3] =	stream.linear.scatter [tilespmem:s7], [sflag:$0x2], $0xC800, $0x38;
	[tilespmem:$0xCA00] =	vst v63  }
0x29: {  	s15 =	sadd.s32 $0x4B0, s20;
	_ =	swait.ge [sflag:s4], $0xC800  }
0x2a: {  	s14 =	sshrl.u32 s15, $0x3;
	[sflag:s4] =	ssyncset.done $0x0  }
0x2b: {  	s14 =	sadd.s32 s18, s14;
	[sflag:s4] =	ssyncadd.s32 $0xFFFF3800  }
0x2c: {  	[tilespmem:s3], [sflag:$0x2] =	stream.linear.gather [hbm4b:s14+s3], $0x190, $0x38;
	[tilespmem:$0xCA00] =	vst v63  }
0x2d: {  	_ =	swait.ge [sflag:s4], $0x190  }
0x2e: {  	[sflag:s4] =	ssyncset.done $0x0  }
0x2f: {  	[sflag:s4] =	ssyncadd.s32 $0xFFFFFE70  }
0x30: {  	[tilespmem:s7], [sflag:$0x1] =	stream.indirect.gather [hbm4b:s2+s6], $0x80, s3, s6, $0xb8;
	[tilespmem:$0xCA00] =	vst v63  }
0x31: {  	_ =	swait.ge [sflag:s8], $0xC800  }
0x32: {  	s15 =	sshll.u32 s15, $0x4;
	[sflag:s8] =	ssyncset.done $0x0  }
0x33: {  	s15 =	sadd.s32 s21, s15;
	[sflag:s8] =	ssyncadd.s32 $0xFFFF3800  }
0x34: {  	[hbm4b:s15+s3] =	stream.linear.scatter [tilespmem:s7], [sflag:$0x2], $0xC800, $0x38;
	[tilespmem:$0xCA00] =	vst v63  }
0x35: {  	s17 =	sadd.s32 $0x640, s20;
	_ =	swait.ge [sflag:s4], $0xC800  }
0x36: {  	s16 =	sshrl.u32 s17, $0x3;
	[sflag:s4] =	ssyncset.done $0x0  }
0x37: {  	s16 =	sadd.s32 s18, s16;
	[sflag:s4] =	ssyncadd.s32 $0xFFFF3800  }
0x38: {  	[tilespmem:s3], [sflag:$0x2] =	stream.linear.gather [hbm4b:s16+s3], $0x190, $0x38;
	[tilespmem:$0xCA00] =	vst v63  }
0x39: {  	_ =	swait.ge [sflag:s4], $0x190  }
0x3a: {  	[sflag:s4] =	ssyncset.done $0x0  }
0x3b: {  	[sflag:s4] =	ssyncadd.s32 $0xFFFFFE70  }
0x3c: {  	[tilespmem:s7], [sflag:$0x1] =	stream.indirect.gather [hbm4b:s2+s6], $0x80, s3, s6, $0xb8;
	[tilespmem:$0xCA00] =	vst v63  }
0x3d: {  	_ =	swait.ge [sflag:s8], $0xC800  }
0x3e: {  	s17 =	sshll.u32 s17, $0x4;
	[sflag:s8] =	ssyncset.done $0x0  }
0x3f: {  	s17 =	sadd.s32 s21, s17;
	[sflag:s8] =	ssyncadd.s32 $0xFFFF3800  }
0x40: {  	[hbm4b:s17+s3] =	stream.linear.scatter [tilespmem:s7], [sflag:$0x2], $0xC800, $0x38;
	[tilespmem:$0xCA00] =	vst v63  }
0x41: {  	s20 =	sadd.s32 $0x7D0, s20;
	_ =	swait.ge [sflag:s4], $0xC800  }
0x42: {  	s22 =	sshrl.u32 s20, $0x3;
	[sflag:s4] =	ssyncset.done $0x0  }
0x43: {  	s19 =	ssub.s32 $0x2, s19;
	s18 =	sadd.s32 s18, s22;
	[sflag:s4] =	ssyncadd.s32 $0xFFFF3800  }
0x44: {  	[tilespmem:s3], [sflag:$0x2] =	stream.linear.gather [hbm4b:s18+s3], $0x190, $0x38;
	[tilespmem:$0xCA00] =	vst v63  }
0x45: {  	s29 =	sshrl.u32 s19, $0x1;
	_ =	swait.ge [sflag:s4], $0x190  }
0x46: {  	s22 =	ssub.s32 s19, s29;
	[sflag:s4] =	ssyncset.done $0x0  }
0x47: {  	s31 =	smax.u32 s22, $0x1;
	[sflag:s4] =	ssyncadd.s32 $0xFFFFFE70  }
0x48: {  	[tilespmem:s7], [sflag:$0x1] =	stream.indirect.gather [hbm4b:s2+s6], $0x80, s3, s6, $0xb8;
	[tilespmem:$0xCA00] =	vst v63  }
0x49: {  	p0 =	sne.s32 s31, $0x1;
	_ =	swait.ge [sflag:s8], $0xC800  }
.Ltmp0:
0x4a: {  	s30 =	sshll.u32 s20, $0x4;
	[sflag:s8] =	ssyncset.done $0x0;
	(pc) =	sbr.rel @!p0 .LBB2_2-.Ltmp0, $4  }
0x4b: {  	s19 =	sadd.s32 s21, s30;
	[sflag:s8] =	ssyncadd.s32 $0xFFFF3800  }
0x4c: {  	[hbm4b:s19+s3] =	stream.linear.scatter [tilespmem:s7], [sflag:$0x2], $0xC800, $0x38;
	[tilespmem:$0xCA00] =	vst v63  }
0x4d: {  	_ =	swait.ge [sflag:s4], $0xC800  }
0x4e: {  	s20 =	sadd.s32 $0xFFFFFFFF, s31;
	[sflag:s4] =	ssyncset.done $0x0  }
.LBB2_1:
0x4f: {  	p0 =	sne.s32 s20, $0x1;
	s20 =	sadd.s32 $0xFFFFFFFF, s20;
	[sflag:s4] =	ssyncadd.s32 $0xFFFF3800  }
0x50: {  	[tilespmem:s3], [sflag:$0x2] =	stream.linear.gather [hbm4b:s5+s3], $0x190, $0x38;
	[tilespmem:$0xCA00] =	vst v63  }
0x51: {  	_ =	swait.ge [sflag:s4], $0x190  }
0x52: {  	[sflag:s4] =	ssyncset.done $0x0  }
0x53: {  	[sflag:s4] =	ssyncadd.s32 $0xFFFFFE70  }
0x54: {  	[tilespmem:s7], [sflag:$0x1] =	stream.indirect.gather [hbm4b:s2+s6], $0x80, s3, s6, $0xb8;
	[tilespmem:$0xCA00] =	vst v63  }
0x55: {  	_ =	swait.ge [sflag:s8], $0xC800  }
0x56: {  	[sflag:s8] =	ssyncset.done $0x0  }
0x57: {  	[sflag:s8] =	ssyncadd.s32 $0xFFFF3800  }
0x58: {  	[hbm4b:s9+s3] =	stream.linear.scatter [tilespmem:s7], [sflag:$0x2], $0xC800, $0x38;
	[tilespmem:$0xCA00] =	vst v63  }
0x59: {  	_ =	swait.ge [sflag:s4], $0xC800  }
0x5a: {  	[sflag:s4] =	ssyncset.done $0x0  }
0x5b: {  	[sflag:s4] =	ssyncadd.s32 $0xFFFF3800  }
0x5c: {  	[tilespmem:s3], [sflag:$0x2] =	stream.linear.gather [hbm4b:s10+s3], $0x190, $0x38;
	[tilespmem:$0xCA00] =	vst v63  }
0x5d: {  	_ =	swait.ge [sflag:s4], $0x190  }
0x5e: {  	[sflag:s4] =	ssyncset.done $0x0  }
0x5f: {  	[sflag:s4] =	ssyncadd.s32 $0xFFFFFE70  }
0x60: {  	[tilespmem:s7], [sflag:$0x1] =	stream.indirect.gather [hbm4b:s2+s6], $0x80, s3, s6, $0xb8;
	[tilespmem:$0xCA00] =	vst v63  }
0x61: {  	_ =	swait.ge [sflag:s8], $0xC800  }
0x62: {  	[sflag:s8] =	ssyncset.done $0x0  }
0x63: {  	[sflag:s8] =	ssyncadd.s32 $0xFFFF3800  }
0x64: {  	[hbm4b:s11+s3] =	stream.linear.scatter [tilespmem:s7], [sflag:$0x2], $0xC800, $0x38;
	[tilespmem:$0xCA00] =	vst v63  }
0x65: {  	_ =	swait.ge [sflag:s4], $0xC800  }
0x66: {  	[sflag:s4] =	ssyncset.done $0x0  }
0x67: {  	[sflag:s4] =	ssyncadd.s32 $0xFFFF3800  }
0x68: {  	[tilespmem:s3], [sflag:$0x2] =	stream.linear.gather [hbm4b:s12+s3], $0x190, $0x38;
	[tilespmem:$0xCA00] =	vst v63  }
0x69: {  	_ =	swait.ge [sflag:s4], $0x190  }
0x6a: {  	[sflag:s4] =	ssyncset.done $0x0  }
0x6b: {  	[sflag:s4] =	ssyncadd.s32 $0xFFFFFE70  }
0x6c: {  	[tilespmem:s7], [sflag:$0x1] =	stream.indirect.gather [hbm4b:s2+s6], $0x80, s3, s6, $0xb8;
	[tilespmem:$0xCA00] =	vst v63  }
0x6d: {  	_ =	swait.ge [sflag:s8], $0xC800  }
0x6e: {  	[sflag:s8] =	ssyncset.done $0x0  }
0x6f: {  	[sflag:s8] =	ssyncadd.s32 $0xFFFF3800  }
0x70: {  	[hbm4b:s13+s3] =	stream.linear.scatter [tilespmem:s7], [sflag:$0x2], $0xC800, $0x38;
	[tilespmem:$0xCA00] =	vst v63  }
0x71: {  	_ =	swait.ge [sflag:s4], $0xC800  }
0x72: {  	[sflag:s4] =	ssyncset.done $0x0  }
0x73: {  	[sflag:s4] =	ssyncadd.s32 $0xFFFF3800  }
0x74: {  	[tilespmem:s3], [sflag:$0x2] =	stream.linear.gather [hbm4b:s14+s3], $0x190, $0x38;
	[tilespmem:$0xCA00] =	vst v63  }
0x75: {  	_ =	swait.ge [sflag:s4], $0x190  }
0x76: {  	[sflag:s4] =	ssyncset.done $0x0  }
0x77: {  	[sflag:s4] =	ssyncadd.s32 $0xFFFFFE70  }
0x78: {  	[tilespmem:s7], [sflag:$0x1] =	stream.indirect.gather [hbm4b:s2+s6], $0x80, s3, s6, $0xb8;
	[tilespmem:$0xCA00] =	vst v63  }
0x79: {  	_ =	swait.ge [sflag:s8], $0xC800  }
0x7a: {  	[sflag:s8] =	ssyncset.done $0x0  }
0x7b: {  	[sflag:s8] =	ssyncadd.s32 $0xFFFF3800  }
0x7c: {  	[hbm4b:s15+s3] =	stream.linear.scatter [tilespmem:s7], [sflag:$0x2], $0xC800, $0x38;
	[tilespmem:$0xCA00] =	vst v63  }
0x7d: {  	_ =	swait.ge [sflag:s4], $0xC800  }
0x7e: {  	[sflag:s4] =	ssyncset.done $0x0  }
0x7f: {  	[sflag:s4] =	ssyncadd.s32 $0xFFFF3800  }
0x80: {  	[tilespmem:s3], [sflag:$0x2] =	stream.linear.gather [hbm4b:s16+s3], $0x190, $0x38;
	[tilespmem:$0xCA00] =	vst v63  }
0x81: {  	_ =	swait.ge [sflag:s4], $0x190  }
0x82: {  	[sflag:s4] =	ssyncset.done $0x0  }
0x83: {  	[sflag:s4] =	ssyncadd.s32 $0xFFFFFE70  }
0x84: {  	[tilespmem:s7], [sflag:$0x1] =	stream.indirect.gather [hbm4b:s2+s6], $0x80, s3, s6, $0xb8;
	[tilespmem:$0xCA00] =	vst v63  }
0x85: {  	_ =	swait.ge [sflag:s8], $0xC800  }
0x86: {  	[sflag:s8] =	ssyncset.done $0x0  }
0x87: {  	[sflag:s8] =	ssyncadd.s32 $0xFFFF3800  }
0x88: {  	[hbm4b:s17+s3] =	stream.linear.scatter [tilespmem:s7], [sflag:$0x2], $0xC800, $0x38;
	[tilespmem:$0xCA00] =	vst v63  }
0x89: {  	_ =	swait.ge [sflag:s4], $0xC800  }
0x8a: {  	[sflag:s4] =	ssyncset.done $0x0  }
0x8b: {  	[sflag:s4] =	ssyncadd.s32 $0xFFFF3800  }
0x8c: {  	[tilespmem:s3], [sflag:$0x2] =	stream.linear.gather [hbm4b:s18+s3], $0x190, $0x38;
	[tilespmem:$0xCA00] =	vst v63  }
0x8d: {  	_ =	swait.ge [sflag:s4], $0x190  }
0x8e: {  	[sflag:s4] =	ssyncset.done $0x0  }
0x8f: {  	[sflag:s4] =	ssyncadd.s32 $0xFFFFFE70  }
0x90: {  	[tilespmem:s7], [sflag:$0x1] =	stream.indirect.gather [hbm4b:s2+s6], $0x80, s3, s6, $0xb8;
	[tilespmem:$0xCA00] =	vst v63  }
0x91: {  	_ =	swait.ge [sflag:s8], $0xC800  }
.Ltmp1:
0x92: {  	[sflag:s8] =	ssyncset.done $0x0;
	(pc) =	sbr.rel @p0 .LBB2_1-.Ltmp1, $4  }
0x93: {  	[sflag:s8] =	ssyncadd.s32 $0xFFFF3800  }
0x94: {  	[hbm4b:s19+s3] =	stream.linear.scatter [tilespmem:s7], [sflag:$0x2], $0xC800, $0x38;
	[tilespmem:$0xCA00] =	vst v63  }
0x95: {  	_ =	swait.ge [sflag:s4], $0xC800  }
0x96: {  	[sflag:s4] =	ssyncset.done $0x0  }
.LBB2_2:
0x97: {  	[sflag:s4] =	ssyncadd.s32 $0xFFFF3800  }
0x98: {  	_ =	sfence.sel $0x180000  }
0x99: {  	[bflag:$0x0] =	sbarrier.arrive $0xFFFF  }
0x9a: {  	p0 =	sne.s32 s0, $0x0;
	_ =	strace $0x9000004D  }
0x9b: {  	s0 =	sadd.s32 @!p0 $0x100000, s1;
	[bflag:$0x2] =	sbarrier.arrive $0xFFFF  }
0x9c: {  	[sflag:s0] =	ssyncadd.tile.s32 @!p0 $0x1;
	_ =	shalt  }
.Lfunc_end2:
_tile_overlayer_lowered:
.L_overlay_start_2:
0x9d: {  	(tag) =	ssettag $0x2  }
0x9e: {  	s0 =	rddreg [dreg:$0x0];
	s2 =	stileid.u32  }
0x9f: {  	s1 =	rddreg [dreg:$0x1];
	p0 =	sne.s32 s2, $0x0  }
0xa0: {  	s3 =	rddreg [dreg:$0x2];
	[bflag:$0x3] =	sbarrier.arrive $0xFFFF;
	s2 =	simm.s32 @!p0 $0x1C02  }
0xa1: {  	[timem:s3], [sflag:s2] =	dma.local @!p0 [hbm:s0], s1  }
0xa2: {  	s0 =	simm.s32 @!p0 $0x2  }
0xa3: {  	_ =	swait.ge @!p0 [sflag:s0], s1  }
0xa4: {  	s1 =	ssub.s32 @!p0 $0x0, s1;
	[sflag:s0] =	ssyncset.done @!p0 $0x0  }
0xa5: {  	[sflag:s0] =	ssyncadd.s32 @!p0 s1  }
0xa6: {  	[bflag:$0x3] =	sbarrier.arrive $0xFFFF  }
0xa7: {  	_ =	shalt  }

// kernel: kernel.14.cloned.1.call-start
scs
__scs_entry_jumppad:
0x0: {  	(pc) =	sbr.rel $0x88, $3  }
0x1: {  	(tag) =	ssettag $0x0;
	lr =	simm.s32 $0x1  }
0x2: {  	[smem:$0x3F95] =	sst lr;
	_ =	strace $0xD0000000  }
0x3: {  	_ = 	snop  }
0x4: {  	_ = 	snop  }
0x5: {  	_ = 	snop  }
0x6: {  	_ = 	snop  }
0x7: {  	_ = 	snop  }
__scs_overlays_trampoline_lowered:
0x8: {  	[smem:$0x3FA4] =	sst s0  }
0x9: {  	[smem:$0x3FA5] =	sst s1  }
0xa: {  	[smem:$0x3FA6] =	sst s2  }
0xb: {  	[smem:$0x3FA7] =	sst s3  }
0xc: {  	[smem:$0x3FA8] =	sst s4  }
0xd: {  	[smem:$0x3FA9] =	sst s5  }
0xe: {  	[smem:$0x3FAA] =	sst s6  }
0xf: {  	[smem:$0x3FAB] =	sst s7  }
0x10: {  	[smem:$0x3FAC] =	sst s8  }
0x11: {  	[smem:$0x3FAD] =	sst s9;
	s0 =	simm.s32 @!p0 $0x0  }
0x12: {  	s1 =	sld [smem:$0x3F93];
	s0 =	simm.s32 @p0 $0x1  }
0x13: {  	[smem:$0x3FAE] =	sst s0;
	s0 =	simm.s32 @!p1 $0x0  }
0x14: {  	s2 =	sld [smem:$0x3F92];
	s0 =	simm.s32 @p1 $0x1  }
0x15: {  	[smem:$0x3FAF] =	sst s0;
	s0 =	simm.s32 @!p2 $0x0  }
0x16: {  	s3 =	sld [smem:$0x3FDB];
	s0 =	simm.s32 @p2 $0x1  }
0x17: {  	s4 =	simm.s32 $0x1BF5;
	[smem:$0x3FB1] =	sst s0  }
0x18: {  	s0 =	sld [smem:$0x3F94];
	_ =	swait.ge [sflag:s4], $0x0  }
0x19: {  	s7 =	sld [smem:$0x3F95]  }
0x1a: {  	s8 =	sadd.s32 $0xFFFFE003, lr  }
0x1b: {  	s9 =	sadd.s32 $0xFFFFFEF7, lr;
	s5 =	simm.s32 $0xFFFFFFFF;
	p2 =	slt.u32 s8, $0xFFFFF086  }
0x1c: {  	p1 =	slt.u32 s9, $0xF7A;
	s5 =	simm.s32 @!p2 $0x0  }
0x1d: {  	s5 =	simm.s32 @p1 $0x1;
	p0 =	seq.s32 s7, s2  }
0x1e: {  	s7 =	smul.u32 @!p0 $0xF7A, s2;
	p2 =	seq.s32 @!p0 s5, $0x0  }
0x1f: {  	s9 =	smul.u32 $0xF7A, s1;
	s8 =	simm.s32 @!p0 $0x1BF5;
	p2 =	por !p2, p0  }
0x20: {  	[sflag:s8] =	ssyncset.s32 @!p0 $0xFFFFF086;
	s6 =	sadd.s32 @!p0 s3, s7;
	s7 =	simm.s32 @!p0 $0x108  }
0x21: {  	s3 =	sadd.s32 s3, s9;
	s6 =	sadd.s32 @!p0 $0x88, s6;
	s7 =	simm.s32 @p2 $0x1082  }
0x22: {  	[simem:s7], [sflag:s8] =	dma.local @!p0 [hbm:s6], $0xF7A  }
0x23: {  	s9 =	sor.u32 $0xD0000000, s2;
	s6 =	simm.s32 $0x108;
	_ =	swait.ge @!p0 [sflag:s8], $0x0  }
0x24: {  	s3 =	sadd.s32 $0x88, s3;
	s6 =	simm.s32 @!p1 $0x1082;
	[sflag:s4] =	ssyncset.s32 $0xFFFFF086  }
0x25: {  	[simem:s6], [sflag:s4] =	dma.local [hbm:s3], $0xF7A  }
0x26: {  	[smem:$0x3F95] =	sst s1;
	(tag) =	ssettag s2;
	_ =	strace s9  }
0x27: {  	s1 =	sld [smem:$0x3FA5]  }
0x28: {  	s2 =	sld [smem:$0x3FA6]  }
0x29: {  	s4 =	sld [smem:$0x3FA8]  }
0x2a: {  	p0 =	seq.s32 s5, $0x0;
	s5 =	sld [smem:$0x3FA9]  }
0x2b: {  	s6 =	sld [smem:$0x3FAA]  }
0x2c: {  	s7 =	sld [smem:$0x3FAB]  }
0x2d: {  	s3 =	simm.s32 $0x108;
	s8 =	sld [smem:$0x3FAC]  }
0x2e: {  	s3 =	simm.s32 @!p0 $0x1082;
	s9 =	sld [smem:$0x3FAD]  }
0x2f: {  	lr =	sadd.s32 s0, s3;
	s0 =	sld [smem:$0x3FA4]  }
0x30: {  	s3 =	sld [smem:$0x3FA7]  }
0x31: {  	[smem:$0x3FB0] =	sst s10  }
0x32: {  	s10 =	sld [smem:$0x3FAE];
	_ =	sdelay $0x3  }
0x33: {  	p0 =	seq.s32 s10, $0x1;
	s10 =	sld [smem:$0x3FB0];
	_ =	sdelay $0x3  }
0x34: {  	[smem:$0x3FB0] =	sst s10  }
0x35: {  	s10 =	sld [smem:$0x3FAF];
	_ =	sdelay $0x3  }
0x36: {  	p1 =	seq.s32 s10, $0x1;
	s10 =	sld [smem:$0x3FB0];
	_ =	sdelay $0x3  }
0x37: {  	[smem:$0x3FB0] =	sst s10  }
0x38: {  	s10 =	sld [smem:$0x3FB1]  }
0x39: {  	_ = 	snop;
	(pc) =	sbr.ind lr, $3  }
0x3a: {  	_ = 	snop  }
0x3b: {  	_ = 	snop  }
0x3c: {  	p2 =	seq.s32 s10, $0x1;
	s10 =	sld [smem:$0x3FB0]  }
0x3d: {  	_ =	shalt  }
0x3e: {  	_ =	shalt  }
0x3f: {  	_ =	shalt  }
0x40: {  	_ =	shalt  }
0x41: {  	_ =	shalt  }
0x42: {  	_ =	shalt  }
0x43: {  	_ =	shalt  }
0x44: {  	_ =	shalt  }
0x45: {  	_ =	shalt  }
0x46: {  	_ =	shalt  }
0x47: {  	_ =	shalt  }
0x48: {  	_ =	shalt  }
0x49: {  	_ =	shalt  }
0x4a: {  	_ =	shalt  }
0x4b: {  	_ =	shalt  }
0x4c: {  	_ =	shalt  }
0x4d: {  	_ =	shalt  }
0x4e: {  	_ =	shalt  }
0x4f: {  	_ =	shalt  }
0x50: {  	_ =	shalt  }
0x51: {  	_ =	shalt  }
0x52: {  	_ =	shalt  }
0x53: {  	_ =	shalt  }
0x54: {  	_ =	shalt  }
0x55: {  	_ =	shalt  }
0x56: {  	_ =	shalt  }
0x57: {  	_ =	shalt  }
0x58: {  	_ =	shalt  }
0x59: {  	_ =	shalt  }
0x5a: {  	_ =	shalt  }
0x5b: {  	_ =	shalt  }
0x5c: {  	_ =	shalt  }
0x5d: {  	_ =	shalt  }
0x5e: {  	_ =	shalt  }
0x5f: {  	_ =	shalt  }
0x60: {  	_ =	shalt  }
0x61: {  	_ =	shalt  }
0x62: {  	_ =	shalt  }
0x63: {  	_ =	shalt  }
0x64: {  	_ =	shalt  }
0x65: {  	_ =	shalt  }
0x66: {  	_ =	shalt  }
0x67: {  	_ =	shalt  }
0x68: {  	_ =	shalt  }
0x69: {  	_ =	shalt  }
0x6a: {  	_ =	shalt  }
0x6b: {  	_ =	shalt  }
0x6c: {  	_ =	shalt  }
0x6d: {  	_ =	shalt  }
0x6e: {  	_ =	shalt  }
0x6f: {  	_ =	shalt  }
0x70: {  	_ =	shalt  }
0x71: {  	_ =	shalt  }
0x72: {  	_ =	shalt  }
0x73: {  	_ =	shalt  }
0x74: {  	_ =	shalt  }
0x75: {  	_ =	shalt  }
0x76: {  	_ =	shalt  }
0x77: {  	_ =	shalt  }
0x78: {  	_ =	shalt  }
0x79: {  	_ =	shalt  }
0x7a: {  	_ =	shalt  }
0x7b: {  	_ =	shalt  }
0x7c: {  	_ =	shalt  }
0x7d: {  	_ =	shalt  }
0x7e: {  	_ =	shalt  }
0x7f: {  	_ =	shalt  }
0x80: {  	_ =	shalt  }
0x81: {  	_ =	shalt  }
0x82: {  	_ =	shalt  }
0x83: {  	_ =	shalt  }
0x84: {  	_ =	shalt  }
0x85: {  	_ =	shalt  }
0x86: {  	_ =	shalt  }
0x87: {  	_ =	shalt  }
.Lfunc_end0:
.L_simem_size_0:
called_computation.1_lowered:
.L_overlay_start_0:
0x88: {  	s2 =	sld [smem:$0x3FD9]  }
0x89: {  	s3 =	sld [smem:$0x3FFE];
	_ =	sdelay $0x1  }
0x8a: {  	s1 =	srdreg.scid  }
0x8b: {  	s0 =	sand.u32 $0x1, s1  }
0x8c: {  	s17 =	sshll.u32 s0, $0xA;
	s2 =	sadd.s32 s3, s2  }
0x8d: {  	s2 =	sadd.s32 s2, s17  }
0x8e: {  	[smem:$0x3FBC] =	sst s2  }
0x8f: {  	_ = 	snop  }
0x90: {  	s2 =	sld [smem:$0x3FD0];
	(tm) =	ssettm $0x1  }
0x91: {  	s18 =	sld [smem:$0x3FFB];
	_ =	sdelay $0x3  }
0x92: {  	_ =	strace s18  }
0x93: {  	s3 =	sld [smem:$0x3FFC];
	_ =	sdelay $0x3  }
0x94: {  	_ =	strace s3  }
0x95: {  	s3 =	sld [smem:$0x3FFD];
	_ =	sdelay $0x3  }
0x96: {  	_ =	strace s3  }
0x97: {  	_ =	strace $0x8FFFFFFF  }
0x98: {  	s19 =	sld [smem:$0x3FDB];
	_ =	sdelay $0x1  }
0x99: {  	s4 =	simm.s32 $_scs_section_size  }
0x9a: {  	s5 =	simm.s32 $_size__tile_overlayer_lowered;
	s6 =	simm.s32 $_tile_overlayer_lowered  }
0x9b: {  	s22 =	simm.s32 $0x1BFF;
	s21 =	sshll.u32 s6, $0x1;
	s3 =	sadd.s32 s4, s19  }
0x9c: {  	s7 =	simm.s32 $0x0;
	s20 =	sshll.u32 s5, $0x1;
	s5 =	sadd.s32 s21, s3  }
0x9d: {  	[timem:s7], [sflag:s22] =	dma.local [hbm:s5], s20  }
0x9e: {  	_ =	swait.ge [sflag:s22], s20  }
0x9f: {  	s4 =	ssub.s32 $0x0, s20;
	[sflag:s22] =	ssyncset.done $0x0  }
0xa0: {  	[sflag:s22] =	ssyncadd.s32 s4;
	_ =	sdelay $0x1  }
0xa1: {  	s23 =	simm.s32 $0x1B8B  }
0xa2: {  	_ =	swait.ge [sflag:s23], $0x1  }
0xa3: {  	[sflag:s23] =	ssyncset.done $0x0  }
0xa4: {  	s25 =	simm.s32 $0x1B8E;
	s24 =	sld [smem:$0x3FFE];
	[sflag:s23] =	ssyncadd.s32 $0xFFFFFFFF  }
0xa5: {  	s26 =	simm.s32 $execute0_lowered;
	[smem:$0x3FD2] =	sst s25  }
0xa6: {  	s5 =	sshll.u32 s26, $0x1;
	_ =	strace $0x80000046;
	[dreg:$0x1] =	wrdreg $0xFFFFFFFF  }
0xa7: {  	s28 =	simm.s32 $_size_execute0_lowered;
	s3 =	sadd.s32 s3, s5;
	[dreg:$0x0] =	wrdreg $0x0  }
0xa8: {  	s5 =	sshll.u32 s28, $0x1;
	[dreg:$0x2] =	wrdreg s3  }
0xa9: {  	[dreg:$0x3] =	wrdreg s5  }
0xaa: {  	[dreg:$0x4] =	wrdreg $0xC0  }
0xab: {  	_ =	task [dreg:s7], $0x5FFFF  }
0xac: {  	[dreg:$0x1] =	wrdreg $0xFFFFFFFF  }
0xad: {  	[dreg:$0x0] =	wrdreg $0x60  }
0xae: {  	[dreg:$0x2] =	wrdreg s2  }
0xaf: {  	[dreg:$0x3] =	wrdreg s24  }
0xb0: {  	[dreg:$0x4] =	wrdreg $0xA  }
0xb1: {  	_ =	task.clear_ibuf [dreg:s7], $0x5FFFF;
	_ =	strace $0x90000046  }
0xb2: {  	s29 =	simm.s32 $0xA;
	_ =	strace $0x80000048  }
0xb3: {  	_ =	swait.ge [sflag:s29], $0x1  }
0xb4: {  	[sflag:s29] =	ssyncadd.s32 $0xFFFFFFFF  }
0xb5: {  	_ =	strace $0x90000048  }
0xb6: {  	_ =	sfence  }
0xb7: {  	s30 =	sld [smem:$0x0];
	_ =	sdelay $0x2  }
0xb8: {  	s31 =	sshll.u32 s1, $0xD;
	s1 =	sshrl.u32 s1, $0x2  }
0xb9: {  	s3 =	sand.u32 $0x4000, s31;
	s1 =	sadd.s32 s1, s30  }
0xba: {  	s0 =	sor.u32 s3, s0;
	s1 =	sshll.u32 s1, $0x11  }
0xbb: {  	s0 =	sor.u32 s1, s0  }
0xbc: {  	s0 =	sadd.s32 $0x8F2B, s0  }
0xbd: {  	[sflag:s0] =	ssyncadd.remote.s32 $0x1  }
0xbe: {  	_ =	sfence.sel $0xFFFF  }
0xbf: {  	[dreg:$0x0] =	wrdreg $0xFFFFFFFF;
	(pc) =	sbr.abs _section_cstart, $3  }
0xc0: {  	[dreg:$0x1] =	wrdreg $0xFFFFFFFF  }
0xc1: {  	_ =	task.clear_ibuf [dreg:s7], $0x2FFFF;
	_ =	strace $0x9FFFFFFF  }
0xc2: {  	(tm) =	ssettm $0x7FFFFFFF  }
0xc3: {  	_ =	shalt  }
tec
execute0_lowered:
.L_overlay_start_1:
0x0: {  	(tag) =	ssettag $0x1  }
0x1: {  	s1 =	srdreg.scid;
	s0 =	stileid.u32  }
0x2: {  	s19 =	sand.u32 $0x1, s1;
	s26 =	sshll.u32 s0, $0x1  }
0x3: {  	s2 =	rddreg [dreg:$0x0];
	s9 =	sor.u32 s19, s26  }
0x4: {  	s10 =	rddreg [dreg:$0x1];
	s20 =	smul.u32 $0x960, s9  }
0x5: {  	s3 =	simm.s32 $0x0;
	s1 =	rddreg [dreg:$0x2]  }
0x6: {  	[smem:$0x7FF] =	sst s3;
	s18 =	sadd.s32 $0x35800, s10;
	s4 =	sshrl.u32 s20, $0x3  }
0x7: {  	_ =	strace $0x80000047;
	s5 =	sadd.s32 s18, s4;
	s4 =	simm.s32 $0x2  }
0x8: {  	[tilespmem:s3], [sflag:$0x2] =	stream.linear.gather [hbm4b:s5+s3], $0x190, $0x38;
	[tilespmem:$0xCA00] =	vst v63  }
0x9: {  	_ =	swait.ge [sflag:s4], $0x190  }
0xa: {  	s6 =	simm.s32 $0x190;
	[sflag:s4] =	ssyncset.done $0x0  }
0xb: {  	s7 =	simm.s32 $0x200;
	s8 =	simm.s32 $0x1;
	[sflag:s4] =	ssyncadd.s32 $0xFFFFFE70  }
0xc: {  	[tilespmem:s7], [sflag:$0x1] =	stream.indirect.gather [hbm4b:s2+s6], $0x80, s3, s6, $0xb8;
	[tilespmem:$0xCA00] =	vst v63  }
0xd: {  	s9 =	smul.u32 $0x9600, s9;
	_ =	swait.ge [sflag:s8], $0xC800  }
0xe: {  	s21 =	sadd.s32 $0x3A400, s10;
	[sflag:s8] =	ssyncset.done $0x0  }
0xf: {  	s9 =	sadd.s32 s21, s9;
	[sflag:s8] =	ssyncadd.s32 $0xFFFF3800  }
0x10: {  	[hbm4b:s9+s3] =	stream.linear.scatter [tilespmem:s7], [sflag:$0x2], $0xC800, $0x38;
	[tilespmem:$0xCA00] =	vst v63  }
0x11: {  	s11 =	sadd.s32 $0x190, s20;
	_ =	swait.ge [sflag:s4], $0xC800  }
0x12: {  	s28 =	sshrl.u32 s11, $0x3;
	[sflag:s4] =	ssyncset.done $0x0  }
0x13: {  	s10 =	sadd.s32 s18, s28;
	[sflag:s4] =	ssyncadd.s32 $0xFFFF3800  }
0x14: {  	[tilespmem:s3], [sflag:$0x2] =	stream.linear.gather [hbm4b:s10+s3], $0x190, $0x38;
	[tilespmem:$0xCA00] =	vst v63  }
0x15: {  	_ =	swait.ge [sflag:s4], $0x190  }
0x16: {  	[sflag:s4] =	ssyncset.done $0x0  }
0x17: {  	[sflag:s4] =	ssyncadd.s32 $0xFFFFFE70  }
0x18: {  	[tilespmem:s7], [sflag:$0x1] =	stream.indirect.gather [hbm4b:s2+s6], $0x80, s3, s6, $0xb8;
	[tilespmem:$0xCA00] =	vst v63  }
0x19: {  	_ =	swait.ge [sflag:s8], $0xC800  }
0x1a: {  	s11 =	sshll.u32 s11, $0x4;
	[sflag:s8] =	ssyncset.done $0x0  }
0x1b: {  	s11 =	sadd.s32 s21, s11;
	[sflag:s8] =	ssyncadd.s32 $0xFFFF3800  }
0x1c: {  	[hbm4b:s11+s3] =	stream.linear.scatter [tilespmem:s7], [sflag:$0x2], $0xC800, $0x38;
	[tilespmem:$0xCA00] =	vst v63  }
0x1d: {  	s13 =	sadd.s32 $0x320, s20;
	_ =	swait.ge [sflag:s4], $0xC800  }
0x1e: {  	s12 =	sshrl.u32 s13, $0x3;
	[sflag:s4] =	ssyncset.done $0x0  }
0x1f: {  	s12 =	sadd.s32 s18, s12;
	[sflag:s4] =	ssyncadd.s32 $0xFFFF3800  }
0x20: {  	[tilespmem:s3], [sflag:$0x2] =	stream.linear.gather [hbm4b:s12+s3], $0x190, $0x38;
	[tilespmem:$0xCA00] =	vst v63  }
0x21: {  	_ =	swait.ge [sflag:s4], $0x190  }
0x22: {  	[sflag:s4] =	ssyncset.done $0x0  }
0x23: {  	[sflag:s4] =	ssyncadd.s32 $0xFFFFFE70  }
0x24: {  	[tilespmem:s7], [sflag:$0x1] =	stream.indirect.gather [hbm4b:s2+s6], $0x80, s3, s6, $0xb8;
	[tilespmem:$0xCA00] =	vst v63  }
0x25: {  	_ =	swait.ge [sflag:s8], $0xC800  }
0x26: {  	s13 =	sshll.u32 s13, $0x4;
	[sflag:s8] =	ssyncset.done $0x0  }
0x27: {  	s13 =	sadd.s32 s21, s13;
	[sflag:s8] =	ssyncadd.s32 $0xFFFF3800  }
0x28: {  	[hbm4b:s13+s3] =	stream.linear.scatter [tilespmem:s7], [sflag:$0x2], $0xC800, $0x38;
	[tilespmem:$0xCA00] =	vst v63  }
0x29: {  	s15 =	sadd.s32 $0x4B0, s20;
	_ =	swait.ge [sflag:s4], $0xC800  }
0x2a: {  	s14 =	sshrl.u32 s15, $0x3;
	[sflag:s4] =	ssyncset.done $0x0  }
0x2b: {  	s14 =	sadd.s32 s18, s14;
	[sflag:s4] =	ssyncadd.s32 $0xFFFF3800  }
0x2c: {  	[tilespmem:s3], [sflag:$0x2] =	stream.linear.gather [hbm4b:s14+s3], $0x190, $0x38;
	[tilespmem:$0xCA00] =	vst v63  }
0x2d: {  	_ =	swait.ge [sflag:s4], $0x190  }
0x2e: {  	[sflag:s4] =	ssyncset.done $0x0  }
0x2f: {  	[sflag:s4] =	ssyncadd.s32 $0xFFFFFE70  }
0x30: {  	[tilespmem:s7], [sflag:$0x1] =	stream.indirect.gather [hbm4b:s2+s6], $0x80, s3, s6, $0xb8;
	[tilespmem:$0xCA00] =	vst v63  }
0x31: {  	_ =	swait.ge [sflag:s8], $0xC800  }
0x32: {  	s15 =	sshll.u32 s15, $0x4;
	[sflag:s8] =	ssyncset.done $0x0  }
0x33: {  	s15 =	sadd.s32 s21, s15;
	[sflag:s8] =	ssyncadd.s32 $0xFFFF3800  }
0x34: {  	[hbm4b:s15+s3] =	stream.linear.scatter [tilespmem:s7], [sflag:$0x2], $0xC800, $0x38;
	[tilespmem:$0xCA00] =	vst v63  }
0x35: {  	s17 =	sadd.s32 $0x640, s20;
	_ =	swait.ge [sflag:s4], $0xC800  }
0x36: {  	s16 =	sshrl.u32 s17, $0x3;
	[sflag:s4] =	ssyncset.done $0x0  }
0x37: {  	s16 =	sadd.s32 s18, s16;
	[sflag:s4] =	ssyncadd.s32 $0xFFFF3800  }
0x38: {  	[tilespmem:s3], [sflag:$0x2] =	stream.linear.gather [hbm4b:s16+s3], $0x190, $0x38;
	[tilespmem:$0xCA00] =	vst v63  }
0x39: {  	_ =	swait.ge [sflag:s4], $0x190  }
0x3a: {  	[sflag:s4] =	ssyncset.done $0x0  }
0x3b: {  	[sflag:s4] =	ssyncadd.s32 $0xFFFFFE70  }
0x3c: {  	[tilespmem:s7], [sflag:$0x1] =	stream.indirect.gather [hbm4b:s2+s6], $0x80, s3, s6, $0xb8;
	[tilespmem:$0xCA00] =	vst v63  }
0x3d: {  	_ =	swait.ge [sflag:s8], $0xC800  }
0x3e: {  	s17 =	sshll.u32 s17, $0x4;
	[sflag:s8] =	ssyncset.done $0x0  }
0x3f: {  	s17 =	sadd.s32 s21, s17;
	[sflag:s8] =	ssyncadd.s32 $0xFFFF3800  }
0x40: {  	[hbm4b:s17+s3] =	stream.linear.scatter [tilespmem:s7], [sflag:$0x2], $0xC800, $0x38;
	[tilespmem:$0xCA00] =	vst v63  }
0x41: {  	s20 =	sadd.s32 $0x7D0, s20;
	_ =	swait.ge [sflag:s4], $0xC800  }
0x42: {  	s22 =	sshrl.u32 s20, $0x3;
	[sflag:s4] =	ssyncset.done $0x0  }
0x43: {  	s19 =	ssub.s32 $0x2, s19;
	s18 =	sadd.s32 s18, s22;
	[sflag:s4] =	ssyncadd.s32 $0xFFFF3800  }
0x44: {  	[tilespmem:s3], [sflag:$0x2] =	stream.linear.gather [hbm4b:s18+s3], $0x190, $0x38;
	[tilespmem:$0xCA00] =	vst v63  }
0x45: {  	s29 =	sshrl.u32 s19, $0x1;
	_ =	swait.ge [sflag:s4], $0x190  }
0x46: {  	s22 =	ssub.s32 s19, s29;
	[sflag:s4] =	ssyncset.done $0x0  }
0x47: {  	s31 =	smax.u32 s22, $0x1;
	[sflag:s4] =	ssyncadd.s32 $0xFFFFFE70  }
0x48: {  	[tilespmem:s7], [sflag:$0x1] =	stream.indirect.gather [hbm4b:s2+s6], $0x80, s3, s6, $0xb8;
	[tilespmem:$0xCA00] =	vst v63  }
0x49: {  	p0 =	sne.s32 s31, $0x1;
	_ =	swait.ge [sflag:s8], $0xC800  }
.Ltmp0:
0x4a: {  	s30 =	sshll.u32 s20, $0x4;
	[sflag:s8] =	ssyncset.done $0x0;
	(pc) =	sbr.rel @!p0 .LBB2_2-.Ltmp0, $4  }
0x4b: {  	s19 =	sadd.s32 s21, s30;
	[sflag:s8] =	ssyncadd.s32 $0xFFFF3800  }
0x4c: {  	[hbm4b:s19+s3] =	stream.linear.scatter [tilespmem:s7], [sflag:$0x2], $0xC800, $0x38;
	[tilespmem:$0xCA00] =	vst v63  }
0x4d: {  	_ =	swait.ge [sflag:s4], $0xC800  }
0x4e: {  	s20 =	sadd.s32 $0xFFFFFFFF, s31;
	[sflag:s4] =	ssyncset.done $0x0  }
.LBB2_1:
0x4f: {  	p0 =	sne.s32 s20, $0x1;
	s20 =	sadd.s32 $0xFFFFFFFF, s20;
	[sflag:s4] =	ssyncadd.s32 $0xFFFF3800  }
0x50: {  	[tilespmem:s3], [sflag:$0x2] =	stream.linear.gather [hbm4b:s5+s3], $0x190, $0x38;
	[tilespmem:$0xCA00] =	vst v63  }
0x51: {  	_ =	swait.ge [sflag:s4], $0x190  }
0x52: {  	[sflag:s4] =	ssyncset.done $0x0  }
0x53: {  	[sflag:s4] =	ssyncadd.s32 $0xFFFFFE70  }
0x54: {  	[tilespmem:s7], [sflag:$0x1] =	stream.indirect.gather [hbm4b:s2+s6], $0x80, s3, s6, $0xb8;
	[tilespmem:$0xCA00] =	vst v63  }
0x55: {  	_ =	swait.ge [sflag:s8], $0xC800  }
0x56: {  	[sflag:s8] =	ssyncset.done $0x0  }
0x57: {  	[sflag:s8] =	ssyncadd.s32 $0xFFFF3800  }
0x58: {  	[hbm4b:s9+s3] =	stream.linear.scatter [tilespmem:s7], [sflag:$0x2], $0xC800, $0x38;
	[tilespmem:$0xCA00] =	vst v63  }
0x59: {  	_ =	swait.ge [sflag:s4], $0xC800  }
0x5a: {  	[sflag:s4] =	ssyncset.done $0x0  }
0x5b: {  	[sflag:s4] =	ssyncadd.s32 $0xFFFF3800  }
0x5c: {  	[tilespmem:s3], [sflag:$0x2] =	stream.linear.gather [hbm4b:s10+s3], $0x190, $0x38;
	[tilespmem:$0xCA00] =	vst v63  }
0x5d: {  	_ =	swait.ge [sflag:s4], $0x190  }
0x5e: {  	[sflag:s4] =	ssyncset.done $0x0  }
0x5f: {  	[sflag:s4] =	ssyncadd.s32 $0xFFFFFE70  }
0x60: {  	[tilespmem:s7], [sflag:$0x1] =	stream.indirect.gather [hbm4b:s2+s6], $0x80, s3, s6, $0xb8;
	[tilespmem:$0xCA00] =	vst v63  }
0x61: {  	_ =	swait.ge [sflag:s8], $0xC800  }
0x62: {  	[sflag:s8] =	ssyncset.done $0x0  }
0x63: {  	[sflag:s8] =	ssyncadd.s32 $0xFFFF3800  }
0x64: {  	[hbm4b:s11+s3] =	stream.linear.scatter [tilespmem:s7], [sflag:$0x2], $0xC800, $0x38;
	[tilespmem:$0xCA00] =	vst v63  }
0x65: {  	_ =	swait.ge [sflag:s4], $0xC800  }
0x66: {  	[sflag:s4] =	ssyncset.done $0x0  }
0x67: {  	[sflag:s4] =	ssyncadd.s32 $0xFFFF3800  }
0x68: {  	[tilespmem:s3], [sflag:$0x2] =	stream.linear.gather [hbm4b:s12+s3], $0x190, $0x38;
	[tilespmem:$0xCA00] =	vst v63  }
0x69: {  	_ =	swait.ge [sflag:s4], $0x190  }
0x6a: {  	[sflag:s4] =	ssyncset.done $0x0  }
0x6b: {  	[sflag:s4] =	ssyncadd.s32 $0xFFFFFE70  }
0x6c: {  	[tilespmem:s7], [sflag:$0x1] =	stream.indirect.gather [hbm4b:s2+s6], $0x80, s3, s6, $0xb8;
	[tilespmem:$0xCA00] =	vst v63  }
0x6d: {  	_ =	swait.ge [sflag:s8], $0xC800  }
0x6e: {  	[sflag:s8] =	ssyncset.done $0x0  }
0x6f: {  	[sflag:s8] =	ssyncadd.s32 $0xFFFF3800  }
0x70: {  	[hbm4b:s13+s3] =	stream.linear.scatter [tilespmem:s7], [sflag:$0x2], $0xC800, $0x38;
	[tilespmem:$0xCA00] =	vst v63  }
0x71: {  	_ =	swait.ge [sflag:s4], $0xC800  }
0x72: {  	[sflag:s4] =	ssyncset.done $0x0  }
0x73: {  	[sflag:s4] =	ssyncadd.s32 $0xFFFF3800  }
0x74: {  	[tilespmem:s3], [sflag:$0x2] =	stream.linear.gather [hbm4b:s14+s3], $0x190, $0x38;
	[tilespmem:$0xCA00] =	vst v63  }
0x75: {  	_ =	swait.ge [sflag:s4], $0x190  }
0x76: {  	[sflag:s4] =	ssyncset.done $0x0  }
0x77: {  	[sflag:s4] =	ssyncadd.s32 $0xFFFFFE70  }
0x78: {  	[tilespmem:s7], [sflag:$0x1] =	stream.indirect.gather [hbm4b:s2+s6], $0x80, s3, s6, $0xb8;
	[tilespmem:$0xCA00] =	vst v63  }
0x79: {  	_ =	swait.ge [sflag:s8], $0xC800  }
0x7a: {  	[sflag:s8] =	ssyncset.done $0x0  }
0x7b: {  	[sflag:s8] =	ssyncadd.s32 $0xFFFF3800  }
0x7c: {  	[hbm4b:s15+s3] =	stream.linear.scatter [tilespmem:s7], [sflag:$0x2], $0xC800, $0x38;
	[tilespmem:$0xCA00] =	vst v63  }
0x7d: {  	_ =	swait.ge [sflag:s4], $0xC800  }
0x7e: {  	[sflag:s4] =	ssyncset.done $0x0  }
0x7f: {  	[sflag:s4] =	ssyncadd.s32 $0xFFFF3800  }
0x80: {  	[tilespmem:s3], [sflag:$0x2] =	stream.linear.gather [hbm4b:s16+s3], $0x190, $0x38;
	[tilespmem:$0xCA00] =	vst v63  }
0x81: {  	_ =	swait.ge [sflag:s4], $0x190  }
0x82: {  	[sflag:s4] =	ssyncset.done $0x0  }
0x83: {  	[sflag:s4] =	ssyncadd.s32 $0xFFFFFE70  }
0x84: {  	[tilespmem:s7], [sflag:$0x1] =	stream.indirect.gather [hbm4b:s2+s6], $0x80, s3, s6, $0xb8;
	[tilespmem:$0xCA00] =	vst v63  }
0x85: {  	_ =	swait.ge [sflag:s8], $0xC800  }
0x86: {  	[sflag:s8] =	ssyncset.done $0x0  }
0x87: {  	[sflag:s8] =	ssyncadd.s32 $0xFFFF3800  }
0x88: {  	[hbm4b:s17+s3] =	stream.linear.scatter [tilespmem:s7], [sflag:$0x2], $0xC800, $0x38;
	[tilespmem:$0xCA00] =	vst v63  }
0x89: {  	_ =	swait.ge [sflag:s4], $0xC800  }
0x8a: {  	[sflag:s4] =	ssyncset.done $0x0  }
0x8b: {  	[sflag:s4] =	ssyncadd.s32 $0xFFFF3800  }
0x8c: {  	[tilespmem:s3], [sflag:$0x2] =	stream.linear.gather [hbm4b:s18+s3], $0x190, $0x38;
	[tilespmem:$0xCA00] =	vst v63  }
0x8d: {  	_ =	swait.ge [sflag:s4], $0x190  }
0x8e: {  	[sflag:s4] =	ssyncset.done $0x0  }
0x8f: {  	[sflag:s4] =	ssyncadd.s32 $0xFFFFFE70  }
0x90: {  	[tilespmem:s7], [sflag:$0x1] =	stream.indirect.gather [hbm4b:s2+s6], $0x80, s3, s6, $0xb8;
	[tilespmem:$0xCA00] =	vst v63  }
0x91: {  	_ =	swait.ge [sflag:s8], $0xC800  }
.Ltmp1:
0x92: {  	[sflag:s8] =	ssyncset.done $0x0;
	(pc) =	sbr.rel @p0 .LBB2_1-.Ltmp1, $4  }
0x93: {  	[sflag:s8] =	ssyncadd.s32 $0xFFFF3800  }
0x94: {  	[hbm4b:s19+s3] =	stream.linear.scatter [tilespmem:s7], [sflag:$0x2], $0xC800, $0x38;
	[tilespmem:$0xCA00] =	vst v63  }
0x95: {  	_ =	swait.ge [sflag:s4], $0xC800  }
0x96: {  	[sflag:s4] =	ssyncset.done $0x0  }
.LBB2_2:
0x97: {  	[sflag:s4] =	ssyncadd.s32 $0xFFFF3800  }
0x98: {  	_ =	sfence.sel $0x180000  }
0x99: {  	[bflag:$0x0] =	sbarrier.arrive $0xFFFF  }
0x9a: {  	p0 =	sne.s32 s0, $0x0;
	_ =	strace $0x90000047  }
0x9b: {  	s0 =	sadd.s32 @!p0 $0x100000, s1;
	[bflag:$0x2] =	sbarrier.arrive $0xFFFF  }
0x9c: {  	[sflag:s0] =	ssyncadd.tile.s32 @!p0 $0x1;
	_ =	shalt  }
.Lfunc_end2:
_tile_overlayer_lowered:
.L_overlay_start_2:
0x9d: {  	(tag) =	ssettag $0x2  }
0x9e: {  	s0 =	rddreg [dreg:$0x0];
	s2 =	stileid.u32  }
0x9f: {  	s1 =	rddreg [dreg:$0x1];
	p0 =	sne.s32 s2, $0x0  }
0xa0: {  	s3 =	rddreg [dreg:$0x2];
	[bflag:$0x3] =	sbarrier.arrive $0xFFFF;
	s2 =	simm.s32 @!p0 $0x1C02  }
0xa1: {  	[timem:s3], [sflag:s2] =	dma.local @!p0 [hbm:s0], s1  }
0xa2: {  	s0 =	simm.s32 @!p0 $0x2  }
0xa3: {  	_ =	swait.ge @!p0 [sflag:s0], s1  }
0xa4: {  	s1 =	ssub.s32 @!p0 $0x0, s1;
	[sflag:s0] =	ssyncset.done @!p0 $0x0  }
0xa5: {  	[sflag:s0] =	ssyncadd.s32 @!p0 s1  }
0xa6: {  	[bflag:$0x3] =	sbarrier.arrive $0xFFFF  }
0xa7: {  	_ =	shalt  }

// kernel: kernel.17.cloned.1.call-start
scs
__scs_entry_jumppad:
0x0: {  	(pc) =	sbr.rel $0x88, $3  }
0x1: {  	(tag) =	ssettag $0x0;
	lr =	simm.s32 $0x1  }
0x2: {  	[smem:$0x3F95] =	sst lr;
	_ =	strace $0xD0000000  }
0x3: {  	_ = 	snop  }
0x4: {  	_ = 	snop  }
0x5: {  	_ = 	snop  }
0x6: {  	_ = 	snop  }
0x7: {  	_ = 	snop  }
__scs_overlays_trampoline_lowered:
0x8: {  	[smem:$0x3FA4] =	sst s0  }
0x9: {  	[smem:$0x3FA5] =	sst s1  }
0xa: {  	[smem:$0x3FA6] =	sst s2  }
0xb: {  	[smem:$0x3FA7] =	sst s3  }
0xc: {  	[smem:$0x3FA8] =	sst s4  }
0xd: {  	[smem:$0x3FA9] =	sst s5  }
0xe: {  	[smem:$0x3FAA] =	sst s6  }
0xf: {  	[smem:$0x3FAB] =	sst s7  }
0x10: {  	[smem:$0x3FAC] =	sst s8  }
0x11: {  	[smem:$0x3FAD] =	sst s9;
	s0 =	simm.s32 @!p0 $0x0  }
0x12: {  	s1 =	sld [smem:$0x3F93];
	s0 =	simm.s32 @p0 $0x1  }
0x13: {  	[smem:$0x3FAE] =	sst s0;
	s0 =	simm.s32 @!p1 $0x0  }
0x14: {  	s2 =	sld [smem:$0x3F92];
	s0 =	simm.s32 @p1 $0x1  }
0x15: {  	[smem:$0x3FAF] =	sst s0;
	s0 =	simm.s32 @!p2 $0x0  }
0x16: {  	s3 =	sld [smem:$0x3FDB];
	s0 =	simm.s32 @p2 $0x1  }
0x17: {  	s4 =	simm.s32 $0x1BF5;
	[smem:$0x3FB1] =	sst s0  }
0x18: {  	s0 =	sld [smem:$0x3F94];
	_ =	swait.ge [sflag:s4], $0x0  }
0x19: {  	s7 =	sld [smem:$0x3F95]  }
0x1a: {  	s8 =	sadd.s32 $0xFFFFE003, lr  }
0x1b: {  	s9 =	sadd.s32 $0xFFFFFEF7, lr;
	s5 =	simm.s32 $0xFFFFFFFF;
	p2 =	slt.u32 s8, $0xFFFFF086  }
0x1c: {  	p1 =	slt.u32 s9, $0xF7A;
	s5 =	simm.s32 @!p2 $0x0  }
0x1d: {  	s5 =	simm.s32 @p1 $0x1;
	p0 =	seq.s32 s7, s2  }
0x1e: {  	s7 =	smul.u32 @!p0 $0xF7A, s2;
	p2 =	seq.s32 @!p0 s5, $0x0  }
0x1f: {  	s9 =	smul.u32 $0xF7A, s1;
	s8 =	simm.s32 @!p0 $0x1BF5;
	p2 =	por !p2, p0  }
0x20: {  	[sflag:s8] =	ssyncset.s32 @!p0 $0xFFFFF086;
	s6 =	sadd.s32 @!p0 s3, s7;
	s7 =	simm.s32 @!p0 $0x108  }
0x21: {  	s3 =	sadd.s32 s3, s9;
	s6 =	sadd.s32 @!p0 $0x88, s6;
	s7 =	simm.s32 @p2 $0x1082  }
0x22: {  	[simem:s7], [sflag:s8] =	dma.local @!p0 [hbm:s6], $0xF7A  }
0x23: {  	s9 =	sor.u32 $0xD0000000, s2;
	s6 =	simm.s32 $0x108;
	_ =	swait.ge @!p0 [sflag:s8], $0x0  }
0x24: {  	s3 =	sadd.s32 $0x88, s3;
	s6 =	simm.s32 @!p1 $0x1082;
	[sflag:s4] =	ssyncset.s32 $0xFFFFF086  }
0x25: {  	[simem:s6], [sflag:s4] =	dma.local [hbm:s3], $0xF7A  }
0x26: {  	[smem:$0x3F95] =	sst s1;
	(tag) =	ssettag s2;
	_ =	strace s9  }
0x27: {  	s1 =	sld [smem:$0x3FA5]  }
0x28: {  	s2 =	sld [smem:$0x3FA6]  }
0x29: {  	s4 =	sld [smem:$0x3FA8]  }
0x2a: {  	p0 =	seq.s32 s5, $0x0;
	s5 =	sld [smem:$0x3FA9]  }
0x2b: {  	s6 =	sld [smem:$0x3FAA]  }
0x2c: {  	s7 =	sld [smem:$0x3FAB]  }
0x2d: {  	s3 =	simm.s32 $0x108;
	s8 =	sld [smem:$0x3FAC]  }
0x2e: {  	s3 =	simm.s32 @!p0 $0x1082;
	s9 =	sld [smem:$0x3FAD]  }
0x2f: {  	lr =	sadd.s32 s0, s3;
	s0 =	sld [smem:$0x3FA4]  }
0x30: {  	s3 =	sld [smem:$0x3FA7]  }
0x31: {  	[smem:$0x3FB0] =	sst s10  }
0x32: {  	s10 =	sld [smem:$0x3FAE];
	_ =	sdelay $0x3  }
0x33: {  	p0 =	seq.s32 s10, $0x1;
	s10 =	sld [smem:$0x3FB0];
	_ =	sdelay $0x3  }
0x34: {  	[smem:$0x3FB0] =	sst s10  }
0x35: {  	s10 =	sld [smem:$0x3FAF];
	_ =	sdelay $0x3  }
0x36: {  	p1 =	seq.s32 s10, $0x1;
	s10 =	sld [smem:$0x3FB0];
	_ =	sdelay $0x3  }
0x37: {  	[smem:$0x3FB0] =	sst s10  }
0x38: {  	s10 =	sld [smem:$0x3FB1]  }
0x39: {  	_ = 	snop;
	(pc) =	sbr.ind lr, $3  }
0x3a: {  	_ = 	snop  }
0x3b: {  	_ = 	snop  }
0x3c: {  	p2 =	seq.s32 s10, $0x1;
	s10 =	sld [smem:$0x3FB0]  }
0x3d: {  	_ =	shalt  }
0x3e: {  	_ =	shalt  }
0x3f: {  	_ =	shalt  }
0x40: {  	_ =	shalt  }
0x41: {  	_ =	shalt  }
0x42: {  	_ =	shalt  }
0x43: {  	_ =	shalt  }
0x44: {  	_ =	shalt  }
0x45: {  	_ =	shalt  }
0x46: {  	_ =	shalt  }
0x47: {  	_ =	shalt  }
0x48: {  	_ =	shalt  }
0x49: {  	_ =	shalt  }
0x4a: {  	_ =	shalt  }
0x4b: {  	_ =	shalt  }
0x4c: {  	_ =	shalt  }
0x4d: {  	_ =	shalt  }
0x4e: {  	_ =	shalt  }
0x4f: {  	_ =	shalt  }
0x50: {  	_ =	shalt  }
0x51: {  	_ =	shalt  }
0x52: {  	_ =	shalt  }
0x53: {  	_ =	shalt  }
0x54: {  	_ =	shalt  }
0x55: {  	_ =	shalt  }
0x56: {  	_ =	shalt  }
0x57: {  	_ =	shalt  }
0x58: {  	_ =	shalt  }
0x59: {  	_ =	shalt  }
0x5a: {  	_ =	shalt  }
0x5b: {  	_ =	shalt  }
0x5c: {  	_ =	shalt  }
0x5d: {  	_ =	shalt  }
0x5e: {  	_ =	shalt  }
0x5f: {  	_ =	shalt  }
0x60: {  	_ =	shalt  }
0x61: {  	_ =	shalt  }
0x62: {  	_ =	shalt  }
0x63: {  	_ =	shalt  }
0x64: {  	_ =	shalt  }
0x65: {  	_ =	shalt  }
0x66: {  	_ =	shalt  }
0x67: {  	_ =	shalt  }
0x68: {  	_ =	shalt  }
0x69: {  	_ =	shalt  }
0x6a: {  	_ =	shalt  }
0x6b: {  	_ =	shalt  }
0x6c: {  	_ =	shalt  }
0x6d: {  	_ =	shalt  }
0x6e: {  	_ =	shalt  }
0x6f: {  	_ =	shalt  }
0x70: {  	_ =	shalt  }
0x71: {  	_ =	shalt  }
0x72: {  	_ =	shalt  }
0x73: {  	_ =	shalt  }
0x74: {  	_ =	shalt  }
0x75: {  	_ =	shalt  }
0x76: {  	_ =	shalt  }
0x77: {  	_ =	shalt  }
0x78: {  	_ =	shalt  }
0x79: {  	_ =	shalt  }
0x7a: {  	_ =	shalt  }
0x7b: {  	_ =	shalt  }
0x7c: {  	_ =	shalt  }
0x7d: {  	_ =	shalt  }
0x7e: {  	_ =	shalt  }
0x7f: {  	_ =	shalt  }
0x80: {  	_ =	shalt  }
0x81: {  	_ =	shalt  }
0x82: {  	_ =	shalt  }
0x83: {  	_ =	shalt  }
0x84: {  	_ =	shalt  }
0x85: {  	_ =	shalt  }
0x86: {  	_ =	shalt  }
0x87: {  	_ =	shalt  }
.Lfunc_end0:
.L_simem_size_0:
called_computation.2_lowered:
.L_overlay_start_0:
0x88: {  	s2 =	sld [smem:$0x3FD9]  }
0x89: {  	s3 =	sld [smem:$0x3FFE];
	_ =	sdelay $0x1  }
0x8a: {  	s1 =	srdreg.scid  }
0x8b: {  	s0 =	sand.u32 $0x1, s1  }
0x8c: {  	s17 =	sshll.u32 s0, $0xA;
	s2 =	sadd.s32 s3, s2  }
0x8d: {  	s2 =	sadd.s32 s2, s17  }
0x8e: {  	[smem:$0x3FBC] =	sst s2  }
0x8f: {  	_ = 	snop  }
0x90: {  	s18 =	sld [smem:$0x3FD0];
	(tm) =	ssettm $0x1  }
0x91: {  	s19 =	sld [smem:$0x3FFB];
	_ =	sdelay $0x3  }
0x92: {  	_ =	strace s19  }
0x93: {  	s2 =	sld [smem:$0x3FFC];
	_ =	sdelay $0x3  }
0x94: {  	_ =	strace s2  }
0x95: {  	s2 =	sld [smem:$0x3FFD];
	_ =	sdelay $0x3  }
0x96: {  	_ =	strace s2  }
0x97: {  	_ =	strace $0x8FFFFFFF  }
0x98: {  	s20 =	sld [smem:$0x3FDB];
	_ =	sdelay $0x1  }
0x99: {  	s4 =	simm.s32 $_scs_section_size  }
0x9a: {  	s5 =	simm.s32 $_size__tile_overlayer_lowered;
	s6 =	simm.s32 $_tile_overlayer_lowered  }
0x9b: {  	s7 =	simm.s32 $0x1BFF;
	s21 =	sshll.u32 s6, $0x1;
	s4 =	sadd.s32 s4, s20  }
0x9c: {  	s22 =	simm.s32 $0x0;
	s5 =	sshll.u32 s5, $0x1;
	s6 =	sadd.s32 s21, s4  }
0x9d: {  	[timem:s22], [sflag:s7] =	dma.local [hbm:s6], s5  }
0x9e: {  	_ =	swait.ge [sflag:s7], s5  }
0x9f: {  	s5 =	ssub.s32 $0x0, s5;
	[sflag:s7] =	ssyncset.done $0x0  }
0xa0: {  	[sflag:s7] =	ssyncadd.s32 s5;
	_ =	sdelay $0x1  }
0xa1: {  	s23 =	simm.s32 $0x1B8B  }
0xa2: {  	_ =	swait.ge [sflag:s23], $0x1  }
0xa3: {  	[sflag:s23] =	ssyncset.done $0x0  }
0xa4: {  	[sflag:s23] =	ssyncadd.s32 $0xFFFFFFFF  }
0xa5: {  	s5 =	sld [smem:$0x0]  }
0xa6: {  	s6 =	sand.u32 $0xFFFFFFFE, s1  }
0xa7: {  	p0 =	sne.s32 s1, s6  }
0xa8: {  	s6 =	sshll.u32 @p0 s6, $0xE  }
0xa9: {  	s6 =	sadd.s32 @p0 $0x11B8D, s6;
	s7 =	sshll.u32 @p0 s5, $0x11  }
0xaa: {  	s6 =	sor.u32 @p0 s7, s6  }
0xab: {  	[sflag:s6] =	ssyncadd.remote.s32 @p0 $0x1;
	_ =	sdelay $0x1  }
0xac: {  	s6 =	simm.s32 @p0 $0x1B8D  }
0xad: {  	_ =	swait.eq @p0 [sflag:s6], $0x1  }
0xae: {  	[sflag:s6] =	ssyncadd.s32 @p0 $0xFFFFFFFF  }
0xaf: {  	s7 =	sshll.u32 @!p0 s1, $0xE  }
0xb0: {  	s7 =	sor.u32 @!p0 $0x4000, s7;
	s6 =	simm.s32 @!p0 $0x1B8D  }
0xb1: {  	s5 =	sshll.u32 @!p0 s5, $0x11;
	s7 =	sadd.s32 @!p0 $0x11B8D, s7;
	_ =	swait.eq @!p0 [sflag:s6], $0x1  }
0xb2: {  	s5 =	sor.u32 @!p0 s5, s7;
	[sflag:s6] =	ssyncadd.s32 @!p0 $0xFFFFFFFF  }
0xb3: {  	s25 =	simm.s32 $0x1B8E;
	s24 =	sld [smem:$0x3FFE];
	[sflag:s5] =	ssyncadd.remote.s32 @!p0 $0x1  }
0xb4: {  	s26 =	simm.s32 $execute0_lowered;
	[smem:$0x3FD2] =	sst s25  }
0xb5: {  	s6 =	sshll.u32 s26, $0x1;
	_ =	strace $0x80000049;
	[dreg:$0x1] =	wrdreg $0xFFFFFFFF  }
0xb6: {  	s28 =	simm.s32 $_size_execute0_lowered;
	s4 =	sadd.s32 s4, s6;
	[dreg:$0x0] =	wrdreg $0x0  }
0xb7: {  	s6 =	sshll.u32 s28, $0x1;
	[dreg:$0x2] =	wrdreg s4  }
0xb8: {  	[dreg:$0x3] =	wrdreg s6  }
0xb9: {  	[dreg:$0x4] =	wrdreg $0xC0  }
0xba: {  	_ =	task [dreg:s22], $0x5FFFF  }
0xbb: {  	[dreg:$0x1] =	wrdreg $0xFFFFFFFF  }
0xbc: {  	[dreg:$0x0] =	wrdreg $0x60  }
0xbd: {  	[dreg:$0x2] =	wrdreg s18  }
0xbe: {  	[dreg:$0x3] =	wrdreg s24  }
0xbf: {  	[dreg:$0x4] =	wrdreg $0xB  }
0xc0: {  	_ =	task.clear_ibuf [dreg:s22], $0x5FFFF;
	_ =	strace $0x90000049  }
0xc1: {  	s29 =	simm.s32 $0xB;
	_ =	strace $0x8000004B  }
0xc2: {  	_ =	swait.ge [sflag:s29], $0x1  }
0xc3: {  	[sflag:s29] =	ssyncadd.s32 $0xFFFFFFFF  }
0xc4: {  	_ =	strace $0x9000004B  }
0xc5: {  	_ =	sfence  }
0xc6: {  	s30 =	sld [smem:$0x0];
	_ =	sdelay $0x2  }
0xc7: {  	s31 =	sshll.u32 s1, $0xD;
	s1 =	sshrl.u32 s1, $0x2  }
0xc8: {  	s4 =	sand.u32 $0x4000, s31;
	s1 =	sadd.s32 s1, s30  }
0xc9: {  	s0 =	sor.u32 s4, s0;
	s1 =	sshll.u32 s1, $0x11  }
0xca: {  	s0 =	sor.u32 s1, s0  }
0xcb: {  	s0 =	sadd.s32 $0x8F2B, s0  }
0xcc: {  	[sflag:s0] =	ssyncadd.remote.s32 $0x1  }
0xcd: {  	_ =	sfence.sel $0xFFFF  }
0xce: {  	[dreg:$0x0] =	wrdreg $0xFFFFFFFF;
	(pc) =	sbr.abs _section_cstart, $3  }
0xcf: {  	[dreg:$0x1] =	wrdreg $0xFFFFFFFF  }
0xd0: {  	_ =	task.clear_ibuf [dreg:s22], $0x2FFFF;
	_ =	strace $0x9FFFFFFF  }
0xd1: {  	(tm) =	ssettm $0x7FFFFFFF  }
tec
execute0_lowered:
.L_overlay_start_1:
0x0: {  	(tag) =	ssettag $0x1  }
0x1: {  	s1 =	srdreg.scid;
	s0 =	stileid.u32  }
0x2: {  	s19 =	sand.u32 $0x1, s1;
	s26 =	sshll.u32 s0, $0x1  }
0x3: {  	s2 =	rddreg [dreg:$0x0];
	s9 =	sor.u32 s19, s26  }
0x4: {  	s10 =	rddreg [dreg:$0x1];
	s20 =	smul.u32 $0x960, s9  }
0x5: {  	s3 =	simm.s32 $0x0;
	s1 =	rddreg [dreg:$0x2]  }
0x6: {  	[smem:$0x7FF] =	sst s3;
	s18 =	sadd.s32 $0x37E00, s10;
	s4 =	sshrl.u32 s20, $0x3  }
0x7: {  	_ =	strace $0x8000004A;
	s5 =	sadd.s32 s18, s4;
	s4 =	simm.s32 $0x2  }
0x8: {  	[tilespmem:s3], [sflag:$0x2] =	stream.linear.gather [hbm4b:s5+s3], $0x190, $0x38;
	[tilespmem:$0xCA00] =	vst v63  }
0x9: {  	_ =	swait.ge [sflag:s4], $0x190  }
0xa: {  	s6 =	simm.s32 $0x190;
	[sflag:s4] =	ssyncset.done $0x0  }
0xb: {  	s7 =	simm.s32 $0x200;
	s8 =	simm.s32 $0x1;
	[sflag:s4] =	ssyncadd.s32 $0xFFFFFE70  }
0xc: {  	[tilespmem:s7], [sflag:$0x1] =	stream.indirect.gather [hbm4b:s2+s6], $0x80, s3, s6, $0xb8;
	[tilespmem:$0xCA00] =	vst v63  }
0xd: {  	s9 =	smul.u32 $0x9600, s9;
	_ =	swait.ge [sflag:s8], $0xC800  }
0xe: {  	s21 =	sadd.s32 $0x166400, s10;
	[sflag:s8] =	ssyncset.done $0x0  }
0xf: {  	s9 =	sadd.s32 s21, s9;
	[sflag:s8] =	ssyncadd.s32 $0xFFFF3800  }
0x10: {  	[hbm4b:s9+s3] =	stream.linear.scatter [tilespmem:s7], [sflag:$0x2], $0xC800, $0x38;
	[tilespmem:$0xCA00] =	vst v63  }
0x11: {  	s11 =	sadd.s32 $0x190, s20;
	_ =	swait.ge [sflag:s4], $0xC800  }
0x12: {  	s28 =	sshrl.u32 s11, $0x3;
	[sflag:s4] =	ssyncset.done $0x0  }
0x13: {  	s10 =	sadd.s32 s18, s28;
	[sflag:s4] =	ssyncadd.s32 $0xFFFF3800  }
0x14: {  	[tilespmem:s3], [sflag:$0x2] =	stream.linear.gather [hbm4b:s10+s3], $0x190, $0x38;
	[tilespmem:$0xCA00] =	vst v63  }
0x15: {  	_ =	swait.ge [sflag:s4], $0x190  }
0x16: {  	[sflag:s4] =	ssyncset.done $0x0  }
0x17: {  	[sflag:s4] =	ssyncadd.s32 $0xFFFFFE70  }
0x18: {  	[tilespmem:s7], [sflag:$0x1] =	stream.indirect.gather [hbm4b:s2+s6], $0x80, s3, s6, $0xb8;
	[tilespmem:$0xCA00] =	vst v63  }
0x19: {  	_ =	swait.ge [sflag:s8], $0xC800  }
0x1a: {  	s11 =	sshll.u32 s11, $0x4;
	[sflag:s8] =	ssyncset.done $0x0  }
0x1b: {  	s11 =	sadd.s32 s21, s11;
	[sflag:s8] =	ssyncadd.s32 $0xFFFF3800  }
0x1c: {  	[hbm4b:s11+s3] =	stream.linear.scatter [tilespmem:s7], [sflag:$0x2], $0xC800, $0x38;
	[tilespmem:$0xCA00] =	vst v63  }
0x1d: {  	s13 =	sadd.s32 $0x320, s20;
	_ =	swait.ge [sflag:s4], $0xC800  }
0x1e: {  	s12 =	sshrl.u32 s13, $0x3;
	[sflag:s4] =	ssyncset.done $0x0  }
0x1f: {  	s12 =	sadd.s32 s18, s12;
	[sflag:s4] =	ssyncadd.s32 $0xFFFF3800  }
0x20: {  	[tilespmem:s3], [sflag:$0x2] =	stream.linear.gather [hbm4b:s12+s3], $0x190, $0x38;
	[tilespmem:$0xCA00] =	vst v63  }
0x21: {  	_ =	swait.ge [sflag:s4], $0x190  }
0x22: {  	[sflag:s4] =	ssyncset.done $0x0  }
0x23: {  	[sflag:s4] =	ssyncadd.s32 $0xFFFFFE70  }
0x24: {  	[tilespmem:s7], [sflag:$0x1] =	stream.indirect.gather [hbm4b:s2+s6], $0x80, s3, s6, $0xb8;
	[tilespmem:$0xCA00] =	vst v63  }
0x25: {  	_ =	swait.ge [sflag:s8], $0xC800  }
0x26: {  	s13 =	sshll.u32 s13, $0x4;
	[sflag:s8] =	ssyncset.done $0x0  }
0x27: {  	s13 =	sadd.s32 s21, s13;
	[sflag:s8] =	ssyncadd.s32 $0xFFFF3800  }
0x28: {  	[hbm4b:s13+s3] =	stream.linear.scatter [tilespmem:s7], [sflag:$0x2], $0xC800, $0x38;
	[tilespmem:$0xCA00] =	vst v63  }
0x29: {  	s15 =	sadd.s32 $0x4B0, s20;
	_ =	swait.ge [sflag:s4], $0xC800  }
0x2a: {  	s14 =	sshrl.u32 s15, $0x3;
	[sflag:s4] =	ssyncset.done $0x0  }
0x2b: {  	s14 =	sadd.s32 s18, s14;
	[sflag:s4] =	ssyncadd.s32 $0xFFFF3800  }
0x2c: {  	[tilespmem:s3], [sflag:$0x2] =	stream.linear.gather [hbm4b:s14+s3], $0x190, $0x38;
	[tilespmem:$0xCA00] =	vst v63  }
0x2d: {  	_ =	swait.ge [sflag:s4], $0x190  }
0x2e: {  	[sflag:s4] =	ssyncset.done $0x0  }
0x2f: {  	[sflag:s4] =	ssyncadd.s32 $0xFFFFFE70  }
0x30: {  	[tilespmem:s7], [sflag:$0x1] =	stream.indirect.gather [hbm4b:s2+s6], $0x80, s3, s6, $0xb8;
	[tilespmem:$0xCA00] =	vst v63  }
0x31: {  	_ =	swait.ge [sflag:s8], $0xC800  }
0x32: {  	s15 =	sshll.u32 s15, $0x4;
	[sflag:s8] =	ssyncset.done $0x0  }
0x33: {  	s15 =	sadd.s32 s21, s15;
	[sflag:s8] =	ssyncadd.s32 $0xFFFF3800  }
0x34: {  	[hbm4b:s15+s3] =	stream.linear.scatter [tilespmem:s7], [sflag:$0x2], $0xC800, $0x38;
	[tilespmem:$0xCA00] =	vst v63  }
0x35: {  	s17 =	sadd.s32 $0x640, s20;
	_ =	swait.ge [sflag:s4], $0xC800  }
0x36: {  	s16 =	sshrl.u32 s17, $0x3;
	[sflag:s4] =	ssyncset.done $0x0  }
0x37: {  	s16 =	sadd.s32 s18, s16;
	[sflag:s4] =	ssyncadd.s32 $0xFFFF3800  }
0x38: {  	[tilespmem:s3], [sflag:$0x2] =	stream.linear.gather [hbm4b:s16+s3], $0x190, $0x38;
	[tilespmem:$0xCA00] =	vst v63  }
0x39: {  	_ =	swait.ge [sflag:s4], $0x190  }
0x3a: {  	[sflag:s4] =	ssyncset.done $0x0  }
0x3b: {  	[sflag:s4] =	ssyncadd.s32 $0xFFFFFE70  }
0x3c: {  	[tilespmem:s7], [sflag:$0x1] =	stream.indirect.gather [hbm4b:s2+s6], $0x80, s3, s6, $0xb8;
	[tilespmem:$0xCA00] =	vst v63  }
0x3d: {  	_ =	swait.ge [sflag:s8], $0xC800  }
0x3e: {  	s17 =	sshll.u32 s17, $0x4;
	[sflag:s8] =	ssyncset.done $0x0  }
0x3f: {  	s17 =	sadd.s32 s21, s17;
	[sflag:s8] =	ssyncadd.s32 $0xFFFF3800  }
0x40: {  	[hbm4b:s17+s3] =	stream.linear.scatter [tilespmem:s7], [sflag:$0x2], $0xC800, $0x38;
	[tilespmem:$0xCA00] =	vst v63  }
0x41: {  	s20 =	sadd.s32 $0x7D0, s20;
	_ =	swait.ge [sflag:s4], $0xC800  }
0x42: {  	s22 =	sshrl.u32 s20, $0x3;
	[sflag:s4] =	ssyncset.done $0x0  }
0x43: {  	s19 =	ssub.s32 $0x2, s19;
	s18 =	sadd.s32 s18, s22;
	[sflag:s4] =	ssyncadd.s32 $0xFFFF3800  }
0x44: {  	[tilespmem:s3], [sflag:$0x2] =	stream.linear.gather [hbm4b:s18+s3], $0x190, $0x38;
	[tilespmem:$0xCA00] =	vst v63  }
0x45: {  	s29 =	sshrl.u32 s19, $0x1;
	_ =	swait.ge [sflag:s4], $0x190  }
0x46: {  	s22 =	ssub.s32 s19, s29;
	[sflag:s4] =	ssyncset.done $0x0  }
0x47: {  	s31 =	smax.u32 s22, $0x1;
	[sflag:s4] =	ssyncadd.s32 $0xFFFFFE70  }
0x48: {  	[tilespmem:s7], [sflag:$0x1] =	stream.indirect.gather [hbm4b:s2+s6], $0x80, s3, s6, $0xb8;
	[tilespmem:$0xCA00] =	vst v63  }
0x49: {  	p0 =	sne.s32 s31, $0x1;
	_ =	swait.ge [sflag:s8], $0xC800  }
.Ltmp0:
0x4a: {  	s30 =	sshll.u32 s20, $0x4;
	[sflag:s8] =	ssyncset.done $0x0;
	(pc) =	sbr.rel @!p0 .LBB2_2-.Ltmp0, $4  }
0x4b: {  	s19 =	sadd.s32 s21, s30;
	[sflag:s8] =	ssyncadd.s32 $0xFFFF3800  }
0x4c: {  	[hbm4b:s19+s3] =	stream.linear.scatter [tilespmem:s7], [sflag:$0x2], $0xC800, $0x38;
	[tilespmem:$0xCA00] =	vst v63  }
0x4d: {  	_ =	swait.ge [sflag:s4], $0xC800  }
0x4e: {  	s20 =	sadd.s32 $0xFFFFFFFF, s31;
	[sflag:s4] =	ssyncset.done $0x0  }
.LBB2_1:
0x4f: {  	p0 =	sne.s32 s20, $0x1;
	s20 =	sadd.s32 $0xFFFFFFFF, s20;
	[sflag:s4] =	ssyncadd.s32 $0xFFFF3800  }
0x50: {  	[tilespmem:s3], [sflag:$0x2] =	stream.linear.gather [hbm4b:s5+s3], $0x190, $0x38;
	[tilespmem:$0xCA00] =	vst v63  }
0x51: {  	_ =	swait.ge [sflag:s4], $0x190  }
0x52: {  	[sflag:s4] =	ssyncset.done $0x0  }
0x53: {  	[sflag:s4] =	ssyncadd.s32 $0xFFFFFE70  }
0x54: {  	[tilespmem:s7], [sflag:$0x1] =	stream.indirect.gather [hbm4b:s2+s6], $0x80, s3, s6, $0xb8;
	[tilespmem:$0xCA00] =	vst v63  }
0x55: {  	_ =	swait.ge [sflag:s8], $0xC800  }
0x56: {  	[sflag:s8] =	ssyncset.done $0x0  }
0x57: {  	[sflag:s8] =	ssyncadd.s32 $0xFFFF3800  }
0x58: {  	[hbm4b:s9+s3] =	stream.linear.scatter [tilespmem:s7], [sflag:$0x2], $0xC800, $0x38;
	[tilespmem:$0xCA00] =	vst v63  }
0x59: {  	_ =	swait.ge [sflag:s4], $0xC800  }
0x5a: {  	[sflag:s4] =	ssyncset.done $0x0  }
0x5b: {  	[sflag:s4] =	ssyncadd.s32 $0xFFFF3800  }
0x5c: {  	[tilespmem:s3], [sflag:$0x2] =	stream.linear.gather [hbm4b:s10+s3], $0x190, $0x38;
	[tilespmem:$0xCA00] =	vst v63  }
0x5d: {  	_ =	swait.ge [sflag:s4], $0x190  }
0x5e: {  	[sflag:s4] =	ssyncset.done $0x0  }
0x5f: {  	[sflag:s4] =	ssyncadd.s32 $0xFFFFFE70  }
0x60: {  	[tilespmem:s7], [sflag:$0x1] =	stream.indirect.gather [hbm4b:s2+s6], $0x80, s3, s6, $0xb8;
	[tilespmem:$0xCA00] =	vst v63  }
0x61: {  	_ =	swait.ge [sflag:s8], $0xC800  }
0x62: {  	[sflag:s8] =	ssyncset.done $0x0  }
0x63: {  	[sflag:s8] =	ssyncadd.s32 $0xFFFF3800  }
0x64: {  	[hbm4b:s11+s3] =	stream.linear.scatter [tilespmem:s7], [sflag:$0x2], $0xC800, $0x38;
	[tilespmem:$0xCA00] =	vst v63  }
0x65: {  	_ =	swait.ge [sflag:s4], $0xC800  }
0x66: {  	[sflag:s4] =	ssyncset.done $0x0  }
0x67: {  	[sflag:s4] =	ssyncadd.s32 $0xFFFF3800  }
0x68: {  	[tilespmem:s3], [sflag:$0x2] =	stream.linear.gather [hbm4b:s12+s3], $0x190, $0x38;
	[tilespmem:$0xCA00] =	vst v63  }
0x69: {  	_ =	swait.ge [sflag:s4], $0x190  }
0x6a: {  	[sflag:s4] =	ssyncset.done $0x0  }
0x6b: {  	[sflag:s4] =	ssyncadd.s32 $0xFFFFFE70  }
0x6c: {  	[tilespmem:s7], [sflag:$0x1] =	stream.indirect.gather [hbm4b:s2+s6], $0x80, s3, s6, $0xb8;
	[tilespmem:$0xCA00] =	vst v63  }
0x6d: {  	_ =	swait.ge [sflag:s8], $0xC800  }
0x6e: {  	[sflag:s8] =	ssyncset.done $0x0  }
0x6f: {  	[sflag:s8] =	ssyncadd.s32 $0xFFFF3800  }
0x70: {  	[hbm4b:s13+s3] =	stream.linear.scatter [tilespmem:s7], [sflag:$0x2], $0xC800, $0x38;
	[tilespmem:$0xCA00] =	vst v63  }
0x71: {  	_ =	swait.ge [sflag:s4], $0xC800  }
0x72: {  	[sflag:s4] =	ssyncset.done $0x0  }
0x73: {  	[sflag:s4] =	ssyncadd.s32 $0xFFFF3800  }
0x74: {  	[tilespmem:s3], [sflag:$0x2] =	stream.linear.gather [hbm4b:s14+s3], $0x190, $0x38;
	[tilespmem:$0xCA00] =	vst v63  }
0x75: {  	_ =	swait.ge [sflag:s4], $0x190  }
0x76: {  	[sflag:s4] =	ssyncset.done $0x0  }
0x77: {  	[sflag:s4] =	ssyncadd.s32 $0xFFFFFE70  }
0x78: {  	[tilespmem:s7], [sflag:$0x1] =	stream.indirect.gather [hbm4b:s2+s6], $0x80, s3, s6, $0xb8;
	[tilespmem:$0xCA00] =	vst v63  }
0x79: {  	_ =	swait.ge [sflag:s8], $0xC800  }
0x7a: {  	[sflag:s8] =	ssyncset.done $0x0  }
0x7b: {  	[sflag:s8] =	ssyncadd.s32 $0xFFFF3800  }
0x7c: {  	[hbm4b:s15+s3] =	stream.linear.scatter [tilespmem:s7], [sflag:$0x2], $0xC800, $0x38;
	[tilespmem:$0xCA00] =	vst v63  }
0x7d: {  	_ =	swait.ge [sflag:s4], $0xC800  }
0x7e: {  	[sflag:s4] =	ssyncset.done $0x0  }
0x7f: {  	[sflag:s4] =	ssyncadd.s32 $0xFFFF3800  }
0x80: {  	[tilespmem:s3], [sflag:$0x2] =	stream.linear.gather [hbm4b:s16+s3], $0x190, $0x38;
	[tilespmem:$0xCA00] =	vst v63  }
0x81: {  	_ =	swait.ge [sflag:s4], $0x190  }
0x82: {  	[sflag:s4] =	ssyncset.done $0x0  }
0x83: {  	[sflag:s4] =	ssyncadd.s32 $0xFFFFFE70  }
0x84: {  	[tilespmem:s7], [sflag:$0x1] =	stream.indirect.gather [hbm4b:s2+s6], $0x80, s3, s6, $0xb8;
	[tilespmem:$0xCA00] =	vst v63  }
0x85: {  	_ =	swait.ge [sflag:s8], $0xC800  }
0x86: {  	[sflag:s8] =	ssyncset.done $0x0  }
0x87: {  	[sflag:s8] =	ssyncadd.s32 $0xFFFF3800  }
0x88: {  	[hbm4b:s17+s3] =	stream.linear.scatter [tilespmem:s7], [sflag:$0x2], $0xC800, $0x38;
	[tilespmem:$0xCA00] =	vst v63  }
0x89: {  	_ =	swait.ge [sflag:s4], $0xC800  }
0x8a: {  	[sflag:s4] =	ssyncset.done $0x0  }
0x8b: {  	[sflag:s4] =	ssyncadd.s32 $0xFFFF3800  }
0x8c: {  	[tilespmem:s3], [sflag:$0x2] =	stream.linear.gather [hbm4b:s18+s3], $0x190, $0x38;
	[tilespmem:$0xCA00] =	vst v63  }
0x8d: {  	_ =	swait.ge [sflag:s4], $0x190  }
0x8e: {  	[sflag:s4] =	ssyncset.done $0x0  }
0x8f: {  	[sflag:s4] =	ssyncadd.s32 $0xFFFFFE70  }
0x90: {  	[tilespmem:s7], [sflag:$0x1] =	stream.indirect.gather [hbm4b:s2+s6], $0x80, s3, s6, $0xb8;
	[tilespmem:$0xCA00] =	vst v63  }
0x91: {  	_ =	swait.ge [sflag:s8], $0xC800  }
.Ltmp1:
0x92: {  	[sflag:s8] =	ssyncset.done $0x0;
	(pc) =	sbr.rel @p0 .LBB2_1-.Ltmp1, $4  }
0x93: {  	[sflag:s8] =	ssyncadd.s32 $0xFFFF3800  }
0x94: {  	[hbm4b:s19+s3] =	stream.linear.scatter [tilespmem:s7], [sflag:$0x2], $0xC800, $0x38;
	[tilespmem:$0xCA00] =	vst v63  }
0x95: {  	_ =	swait.ge [sflag:s4], $0xC800  }
0x96: {  	[sflag:s4] =	ssyncset.done $0x0  }
.LBB2_2:
0x97: {  	[sflag:s4] =	ssyncadd.s32 $0xFFFF3800  }
0x98: {  	_ =	sfence.sel $0x180000  }
0x99: {  	[bflag:$0x0] =	sbarrier.arrive $0xFFFF  }
0x9a: {  	p0 =	sne.s32 s0, $0x0;
	_ =	strace $0x9000004A  }
0x9b: {  	s0 =	sadd.s32 @!p0 $0x100000, s1;
	[bflag:$0x2] =	sbarrier.arrive $0xFFFF  }
0x9c: {  	[sflag:s0] =	ssyncadd.tile.s32 @!p0 $0x1;
	_ =	shalt  }
.Lfunc_end2:
_tile_overlayer_lowered:
.L_overlay_start_2:
0x9d: {  	(tag) =	ssettag $0x2  }
0x9e: {  	s0 =	rddreg [dreg:$0x0];
	s2 =	stileid.u32  }
0x9f: {  	s1 =	rddreg [dreg:$0x1];
	p0 =	sne.s32 s2, $0x0  }
0xa0: {  	s3 =	rddreg [dreg:$0x2];
	[bflag:$0x3] =	sbarrier.arrive $0xFFFF;
	s2 =	simm.s32 @!p0 $0x1C02  }
0xa1: {  	[timem:s3], [sflag:s2] =	dma.local @!p0 [hbm:s0], s1  }
0xa2: {  	s0 =	simm.s32 @!p0 $0x2  }
0xa3: {  	_ =	swait.ge @!p0 [sflag:s0], s1  }
0xa4: {  	s1 =	ssub.s32 @!p0 $0x0, s1;
	[sflag:s0] =	ssyncset.done @!p0 $0x0  }
0xa5: {  	[sflag:s0] =	ssyncadd.s32 @!p0 s1  }
0xa6: {  	[bflag:$0x3] =	sbarrier.arrive $0xFFFF  }
0xa7: {  	_ =	shalt  }

// kernel: kernel.20.cloned.1.call-start
scs
__scs_entry_jumppad:
0x0: {  	(pc) =	sbr.rel $0x88, $3  }
0x1: {  	(tag) =	ssettag $0x0;
	lr =	simm.s32 $0x1  }
0x2: {  	[smem:$0x3F95] =	sst lr;
	_ =	strace $0xD0000000  }
0x3: {  	_ = 	snop  }
0x4: {  	_ = 	snop  }
0x5: {  	_ = 	snop  }
0x6: {  	_ = 	snop  }
0x7: {  	_ = 	snop  }
__scs_overlays_trampoline_lowered:
0x8: {  	[smem:$0x3FA4] =	sst s0  }
0x9: {  	[smem:$0x3FA5] =	sst s1  }
0xa: {  	[smem:$0x3FA6] =	sst s2  }
0xb: {  	[smem:$0x3FA7] =	sst s3  }
0xc: {  	[smem:$0x3FA8] =	sst s4  }
0xd: {  	[smem:$0x3FA9] =	sst s5  }
0xe: {  	[smem:$0x3FAA] =	sst s6  }
0xf: {  	[smem:$0x3FAB] =	sst s7  }
0x10: {  	[smem:$0x3FAC] =	sst s8  }
0x11: {  	[smem:$0x3FAD] =	sst s9;
	s0 =	simm.s32 @!p0 $0x0  }
0x12: {  	s1 =	sld [smem:$0x3F93];
	s0 =	simm.s32 @p0 $0x1  }
0x13: {  	[smem:$0x3FAE] =	sst s0;
	s0 =	simm.s32 @!p1 $0x0  }
0x14: {  	s2 =	sld [smem:$0x3F92];
	s0 =	simm.s32 @p1 $0x1  }
0x15: {  	[smem:$0x3FAF] =	sst s0;
	s0 =	simm.s32 @!p2 $0x0  }
0x16: {  	s3 =	sld [smem:$0x3FDB];
	s0 =	simm.s32 @p2 $0x1  }
0x17: {  	s4 =	simm.s32 $0x1BF5;
	[smem:$0x3FB1] =	sst s0  }
0x18: {  	s0 =	sld [smem:$0x3F94];
	_ =	swait.ge [sflag:s4], $0x0  }
0x19: {  	s7 =	sld [smem:$0x3F95]  }
0x1a: {  	s8 =	sadd.s32 $0xFFFFE003, lr  }
0x1b: {  	s9 =	sadd.s32 $0xFFFFFEF7, lr;
	s5 =	simm.s32 $0xFFFFFFFF;
	p2 =	slt.u32 s8, $0xFFFFF086  }
0x1c: {  	p1 =	slt.u32 s9, $0xF7A;
	s5 =	simm.s32 @!p2 $0x0  }
0x1d: {  	s5 =	simm.s32 @p1 $0x1;
	p0 =	seq.s32 s7, s2  }
0x1e: {  	s7 =	smul.u32 @!p0 $0xF7A, s2;
	p2 =	seq.s32 @!p0 s5, $0x0  }
0x1f: {  	s9 =	smul.u32 $0xF7A, s1;
	s8 =	simm.s32 @!p0 $0x1BF5;
	p2 =	por !p2, p0  }
0x20: {  	[sflag:s8] =	ssyncset.s32 @!p0 $0xFFFFF086;
	s6 =	sadd.s32 @!p0 s3, s7;
	s7 =	simm.s32 @!p0 $0x108  }
0x21: {  	s3 =	sadd.s32 s3, s9;
	s6 =	sadd.s32 @!p0 $0x88, s6;
	s7 =	simm.s32 @p2 $0x1082  }
0x22: {  	[simem:s7], [sflag:s8] =	dma.local @!p0 [hbm:s6], $0xF7A  }
0x23: {  	s9 =	sor.u32 $0xD0000000, s2;
	s6 =	simm.s32 $0x108;
	_ =	swait.ge @!p0 [sflag:s8], $0x0  }
0x24: {  	s3 =	sadd.s32 $0x88, s3;
	s6 =	simm.s32 @!p1 $0x1082;
	[sflag:s4] =	ssyncset.s32 $0xFFFFF086  }
0x25: {  	[simem:s6], [sflag:s4] =	dma.local [hbm:s3], $0xF7A  }
0x26: {  	[smem:$0x3F95] =	sst s1;
	(tag) =	ssettag s2;
	_ =	strace s9  }
0x27: {  	s1 =	sld [smem:$0x3FA5]  }
0x28: {  	s2 =	sld [smem:$0x3FA6]  }
0x29: {  	s4 =	sld [smem:$0x3FA8]  }
0x2a: {  	p0 =	seq.s32 s5, $0x0;
	s5 =	sld [smem:$0x3FA9]  }
0x2b: {  	s6 =	sld [smem:$0x3FAA]  }
0x2c: {  	s7 =	sld [smem:$0x3FAB]  }
0x2d: {  	s3 =	simm.s32 $0x108;
	s8 =	sld [smem:$0x3FAC]  }
0x2e: {  	s3 =	simm.s32 @!p0 $0x1082;
	s9 =	sld [smem:$0x3FAD]  }
0x2f: {  	lr =	sadd.s32 s0, s3;
	s0 =	sld [smem:$0x3FA4]  }
0x30: {  	s3 =	sld [smem:$0x3FA7]  }
0x31: {  	[smem:$0x3FB0] =	sst s10  }
0x32: {  	s10 =	sld [smem:$0x3FAE];
	_ =	sdelay $0x3  }
0x33: {  	p0 =	seq.s32 s10, $0x1;
	s10 =	sld [smem:$0x3FB0];
	_ =	sdelay $0x3  }
0x34: {  	[smem:$0x3FB0] =	sst s10  }
0x35: {  	s10 =	sld [smem:$0x3FAF];
	_ =	sdelay $0x3  }
0x36: {  	p1 =	seq.s32 s10, $0x1;
	s10 =	sld [smem:$0x3FB0];
	_ =	sdelay $0x3  }
0x37: {  	[smem:$0x3FB0] =	sst s10  }
0x38: {  	s10 =	sld [smem:$0x3FB1]  }
0x39: {  	_ = 	snop;
	(pc) =	sbr.ind lr, $3  }
0x3a: {  	_ = 	snop  }
0x3b: {  	_ = 	snop  }
0x3c: {  	p2 =	seq.s32 s10, $0x1;
	s10 =	sld [smem:$0x3FB0]  }
0x3d: {  	_ =	shalt  }
0x3e: {  	_ =	shalt  }
0x3f: {  	_ =	shalt  }
0x40: {  	_ =	shalt  }
0x41: {  	_ =	shalt  }
0x42: {  	_ =	shalt  }
0x43: {  	_ =	shalt  }
0x44: {  	_ =	shalt  }
0x45: {  	_ =	shalt  }
0x46: {  	_ =	shalt  }
0x47: {  	_ =	shalt  }
0x48: {  	_ =	shalt  }
0x49: {  	_ =	shalt  }
0x4a: {  	_ =	shalt  }
0x4b: {  	_ =	shalt  }
0x4c: {  	_ =	shalt  }
0x4d: {  	_ =	shalt  }
0x4e: {  	_ =	shalt  }
0x4f: {  	_ =	shalt  }
0x50: {  	_ =	shalt  }
0x51: {  	_ =	shalt  }
0x52: {  	_ =	shalt  }
0x53: {  	_ =	shalt  }
0x54: {  	_ =	shalt  }
0x55: {  	_ =	shalt  }
0x56: {  	_ =	shalt  }
0x57: {  	_ =	shalt  }
0x58: {  	_ =	shalt  }
0x59: {  	_ =	shalt  }
0x5a: {  	_ =	shalt  }
0x5b: {  	_ =	shalt  }
0x5c: {  	_ =	shalt  }
0x5d: {  	_ =	shalt  }
0x5e: {  	_ =	shalt  }
0x5f: {  	_ =	shalt  }
0x60: {  	_ =	shalt  }
0x61: {  	_ =	shalt  }
0x62: {  	_ =	shalt  }
0x63: {  	_ =	shalt  }
0x64: {  	_ =	shalt  }
0x65: {  	_ =	shalt  }
0x66: {  	_ =	shalt  }
0x67: {  	_ =	shalt  }
0x68: {  	_ =	shalt  }
0x69: {  	_ =	shalt  }
0x6a: {  	_ =	shalt  }
0x6b: {  	_ =	shalt  }
0x6c: {  	_ =	shalt  }
0x6d: {  	_ =	shalt  }
0x6e: {  	_ =	shalt  }
0x6f: {  	_ =	shalt  }
0x70: {  	_ =	shalt  }
0x71: {  	_ =	shalt  }
0x72: {  	_ =	shalt  }
0x73: {  	_ =	shalt  }
0x74: {  	_ =	shalt  }
0x75: {  	_ =	shalt  }
0x76: {  	_ =	shalt  }
0x77: {  	_ =	shalt  }
0x78: {  	_ =	shalt  }
0x79: {  	_ =	shalt  }
0x7a: {  	_ =	shalt  }
0x7b: {  	_ =	shalt  }
0x7c: {  	_ =	shalt  }
0x7d: {  	_ =	shalt  }
0x7e: {  	_ =	shalt  }
0x7f: {  	_ =	shalt  }
0x80: {  	_ =	shalt  }
0x81: {  	_ =	shalt  }
0x82: {  	_ =	shalt  }
0x83: {  	_ =	shalt  }
0x84: {  	_ =	shalt  }
0x85: {  	_ =	shalt  }
0x86: {  	_ =	shalt  }
0x87: {  	_ =	shalt  }
.Lfunc_end0:
.L_simem_size_0:
called_computation.3_lowered:
.L_overlay_start_0:
0x88: {  	s2 =	sld [smem:$0x3FD9]  }
0x89: {  	s3 =	sld [smem:$0x3FFE];
	_ =	sdelay $0x1  }
0x8a: {  	s1 =	srdreg.scid  }
0x8b: {  	s0 =	sand.u32 $0x1, s1  }
0x8c: {  	s17 =	sshll.u32 s0, $0xA;
	s2 =	sadd.s32 s3, s2  }
0x8d: {  	s2 =	sadd.s32 s2, s17  }
0x8e: {  	[smem:$0x3FBC] =	sst s2  }
0x8f: {  	_ = 	snop  }
0x90: {  	s18 =	sld [smem:$0x3FD0];
	(tm) =	ssettm $0x1  }
0x91: {  	s19 =	sld [smem:$0x3FFB];
	_ =	sdelay $0x3  }
0x92: {  	_ =	strace s19  }
0x93: {  	s2 =	sld [smem:$0x3FFC];
	_ =	sdelay $0x3  }
0x94: {  	_ =	strace s2  }
0x95: {  	s2 =	sld [smem:$0x3FFD];
	_ =	sdelay $0x3  }
0x96: {  	_ =	strace s2  }
0x97: {  	_ =	strace $0x8FFFFFFF  }
0x98: {  	s20 =	sld [smem:$0x3FDB];
	_ =	sdelay $0x1  }
0x99: {  	s4 =	simm.s32 $_scs_section_size  }
0x9a: {  	s5 =	simm.s32 $_size__tile_overlayer_lowered;
	s6 =	simm.s32 $_tile_overlayer_lowered  }
0x9b: {  	s7 =	simm.s32 $0x1BFF;
	s21 =	sshll.u32 s6, $0x1;
	s4 =	sadd.s32 s4, s20  }
0x9c: {  	s22 =	simm.s32 $0x0;
	s5 =	sshll.u32 s5, $0x1;
	s6 =	sadd.s32 s21, s4  }
0x9d: {  	[timem:s22], [sflag:s7] =	dma.local [hbm:s6], s5  }
0x9e: {  	_ =	swait.ge [sflag:s7], s5  }
0x9f: {  	s5 =	ssub.s32 $0x0, s5;
	[sflag:s7] =	ssyncset.done $0x0  }
0xa0: {  	[sflag:s7] =	ssyncadd.s32 s5;
	_ =	sdelay $0x1  }
0xa1: {  	s23 =	simm.s32 $0x1B8B  }
0xa2: {  	_ =	swait.ge [sflag:s23], $0x1  }
0xa3: {  	[sflag:s23] =	ssyncset.done $0x0  }
0xa4: {  	[sflag:s23] =	ssyncadd.s32 $0xFFFFFFFF  }
0xa5: {  	s5 =	sld [smem:$0x0]  }
0xa6: {  	s6 =	sand.u32 $0xFFFFFFFE, s1  }
0xa7: {  	p0 =	sne.s32 s1, s6  }
0xa8: {  	s6 =	sshll.u32 @p0 s6, $0xE  }
0xa9: {  	s6 =	sadd.s32 @p0 $0x11B8D, s6;
	s7 =	sshll.u32 @p0 s5, $0x11  }
0xaa: {  	s6 =	sor.u32 @p0 s7, s6  }
0xab: {  	[sflag:s6] =	ssyncadd.remote.s32 @p0 $0x1;
	_ =	sdelay $0x1  }
0xac: {  	s6 =	simm.s32 @p0 $0x1B8D  }
0xad: {  	_ =	swait.eq @p0 [sflag:s6], $0x1  }
0xae: {  	[sflag:s6] =	ssyncadd.s32 @p0 $0xFFFFFFFF  }
0xaf: {  	s7 =	sshll.u32 @!p0 s1, $0xE  }
0xb0: {  	s7 =	sor.u32 @!p0 $0x4000, s7;
	s6 =	simm.s32 @!p0 $0x1B8D  }
0xb1: {  	s5 =	sshll.u32 @!p0 s5, $0x11;
	s7 =	sadd.s32 @!p0 $0x11B8D, s7;
	_ =	swait.eq @!p0 [sflag:s6], $0x1  }
0xb2: {  	s5 =	sor.u32 @!p0 s5, s7;
	[sflag:s6] =	ssyncadd.s32 @!p0 $0xFFFFFFFF  }
0xb3: {  	s25 =	simm.s32 $0x1B8E;
	s24 =	sld [smem:$0x3FFE];
	[sflag:s5] =	ssyncadd.remote.s32 @!p0 $0x1  }
0xb4: {  	s26 =	simm.s32 $execute0_lowered;
	[smem:$0x3FD2] =	sst s25  }
0xb5: {  	s6 =	sshll.u32 s26, $0x1;
	_ =	strace $0x8000004F;
	[dreg:$0x1] =	wrdreg $0xFFFFFFFF  }
0xb6: {  	s28 =	simm.s32 $_size_execute0_lowered;
	s4 =	sadd.s32 s4, s6;
	[dreg:$0x0] =	wrdreg $0x0  }
0xb7: {  	s6 =	sshll.u32 s28, $0x1;
	[dreg:$0x2] =	wrdreg s4  }
0xb8: {  	[dreg:$0x3] =	wrdreg s6  }
0xb9: {  	[dreg:$0x4] =	wrdreg $0xC0  }
0xba: {  	_ =	task [dreg:s22], $0x5FFFF  }
0xbb: {  	[dreg:$0x1] =	wrdreg $0xFFFFFFFF  }
0xbc: {  	[dreg:$0x0] =	wrdreg $0x60  }
0xbd: {  	[dreg:$0x2] =	wrdreg s18  }
0xbe: {  	[dreg:$0x3] =	wrdreg s24  }
0xbf: {  	[dreg:$0x4] =	wrdreg $0xC  }
0xc0: {  	_ =	task.clear_ibuf [dreg:s22], $0x5FFFF;
	_ =	strace $0x9000004F  }
0xc1: {  	s29 =	simm.s32 $0xC;
	_ =	strace $0x80000051  }
0xc2: {  	_ =	swait.ge [sflag:s29], $0x1  }
0xc3: {  	[sflag:s29] =	ssyncadd.s32 $0xFFFFFFFF  }
0xc4: {  	_ =	strace $0x90000051  }
0xc5: {  	_ =	sfence  }
0xc6: {  	s30 =	sld [smem:$0x0];
	_ =	sdelay $0x2  }
0xc7: {  	s31 =	sshll.u32 s1, $0xD;
	s1 =	sshrl.u32 s1, $0x2  }
0xc8: {  	s4 =	sand.u32 $0x4000, s31;
	s1 =	sadd.s32 s1, s30  }
0xc9: {  	s0 =	sor.u32 s4, s0;
	s1 =	sshll.u32 s1, $0x11  }
0xca: {  	s0 =	sor.u32 s1, s0  }
0xcb: {  	s0 =	sadd.s32 $0x8F2B, s0  }
0xcc: {  	[sflag:s0] =	ssyncadd.remote.s32 $0x1  }
0xcd: {  	_ =	sfence.sel $0xFFFF  }
0xce: {  	[dreg:$0x0] =	wrdreg $0xFFFFFFFF;
	(pc) =	sbr.abs _section_cstart, $3  }
0xcf: {  	[dreg:$0x1] =	wrdreg $0xFFFFFFFF  }
0xd0: {  	_ =	task.clear_ibuf [dreg:s22], $0x2FFFF;
	_ =	strace $0x9FFFFFFF  }
0xd1: {  	(tm) =	ssettm $0x7FFFFFFF  }
tec
execute0_lowered:
.L_overlay_start_1:
0x0: {  	(tag) =	ssettag $0x1  }
0x1: {  	s1 =	srdreg.scid;
	s0 =	stileid.u32  }
0x2: {  	s21 =	sand.u32 $0x1, s1;
	s26 =	sshll.u32 s0, $0x1  }
0x3: {  	s2 =	rddreg [dreg:$0x0];
	s9 =	sor.u32 s21, s26  }
0x4: {  	s10 =	rddreg [dreg:$0x1];
	s22 =	smul.u32 $0xAF0, s9  }
0x5: {  	s3 =	simm.s32 $0x0;
	s1 =	rddreg [dreg:$0x2]  }
0x6: {  	[smem:$0x7FF] =	sst s3;
	s20 =	sadd.s32 $0x3C0A00, s10;
	s4 =	sshrl.u32 s22, $0x3  }
0x7: {  	_ =	strace $0x80000050;
	s5 =	sadd.s32 s20, s4;
	s4 =	simm.s32 $0x2  }
0x8: {  	[tilespmem:s3], [sflag:$0x2] =	stream.linear.gather [hbm4b:s5+s3], $0x190, $0x38;
	[tilespmem:$0xCA00] =	vst v63  }
0x9: {  	_ =	swait.ge [sflag:s4], $0x190  }
0xa: {  	s6 =	simm.s32 $0x190;
	[sflag:s4] =	ssyncset.done $0x0  }
0xb: {  	s7 =	simm.s32 $0x200;
	s8 =	simm.s32 $0x1;
	[sflag:s4] =	ssyncadd.s32 $0xFFFFFE70  }
0xc: {  	[tilespmem:s7], [sflag:$0x1] =	stream.indirect.gather [hbm4b:s2+s6], $0x80, s3, s6, $0xb8;
	[tilespmem:$0xCA00] =	vst v63  }
0xd: {  	s9 =	smul.u32 $0xAF00, s9;
	_ =	swait.ge [sflag:s8], $0xC800  }
0xe: {  	s23 =	sadd.s32 $0x3C3600, s10;
	[sflag:s8] =	ssyncset.done $0x0  }
0xf: {  	s9 =	sadd.s32 s23, s9;
	[sflag:s8] =	ssyncadd.s32 $0xFFFF3800  }
0x10: {  	[hbm4b:s9+s3] =	stream.linear.scatter [tilespmem:s7], [sflag:$0x2], $0xC800, $0x38;
	[tilespmem:$0xCA00] =	vst v63  }
0x11: {  	s11 =	sadd.s32 $0x190, s22;
	_ =	swait.ge [sflag:s4], $0xC800  }
0x12: {  	s28 =	sshrl.u32 s11, $0x3;
	[sflag:s4] =	ssyncset.done $0x0  }
0x13: {  	s10 =	sadd.s32 s20, s28;
	[sflag:s4] =	ssyncadd.s32 $0xFFFF3800  }
0x14: {  	[tilespmem:s3], [sflag:$0x2] =	stream.linear.gather [hbm4b:s10+s3], $0x190, $0x38;
	[tilespmem:$0xCA00] =	vst v63  }
0x15: {  	_ =	swait.ge [sflag:s4], $0x190  }
0x16: {  	[sflag:s4] =	ssyncset.done $0x0  }
0x17: {  	[sflag:s4] =	ssyncadd.s32 $0xFFFFFE70  }
0x18: {  	[tilespmem:s7], [sflag:$0x1] =	stream.indirect.gather [hbm4b:s2+s6], $0x80, s3, s6, $0xb8;
	[tilespmem:$0xCA00] =	vst v63  }
0x19: {  	_ =	swait.ge [sflag:s8], $0xC800  }
0x1a: {  	s11 =	sshll.u32 s11, $0x4;
	[sflag:s8] =	ssyncset.done $0x0  }
0x1b: {  	s11 =	sadd.s32 s23, s11;
	[sflag:s8] =	ssyncadd.s32 $0xFFFF3800  }
0x1c: {  	[hbm4b:s11+s3] =	stream.linear.scatter [tilespmem:s7], [sflag:$0x2], $0xC800, $0x38;
	[tilespmem:$0xCA00] =	vst v63  }
0x1d: {  	s13 =	sadd.s32 $0x320, s22;
	_ =	swait.ge [sflag:s4], $0xC800  }
0x1e: {  	s12 =	sshrl.u32 s13, $0x3;
	[sflag:s4] =	ssyncset.done $0x0  }
0x1f: {  	s12 =	sadd.s32 s20, s12;
	[sflag:s4] =	ssyncadd.s32 $0xFFFF3800  }
0x20: {  	[tilespmem:s3], [sflag:$0x2] =	stream.linear.gather [hbm4b:s12+s3], $0x190, $0x38;
	[tilespmem:$0xCA00] =	vst v63  }
0x21: {  	_ =	swait.ge [sflag:s4], $0x190  }
0x22: {  	[sflag:s4] =	ssyncset.done $0x0  }
0x23: {  	[sflag:s4] =	ssyncadd.s32 $0xFFFFFE70  }
0x24: {  	[tilespmem:s7], [sflag:$0x1] =	stream.indirect.gather [hbm4b:s2+s6], $0x80, s3, s6, $0xb8;
	[tilespmem:$0xCA00] =	vst v63  }
0x25: {  	_ =	swait.ge [sflag:s8], $0xC800  }
0x26: {  	s13 =	sshll.u32 s13, $0x4;
	[sflag:s8] =	ssyncset.done $0x0  }
0x27: {  	s13 =	sadd.s32 s23, s13;
	[sflag:s8] =	ssyncadd.s32 $0xFFFF3800  }
0x28: {  	[hbm4b:s13+s3] =	stream.linear.scatter [tilespmem:s7], [sflag:$0x2], $0xC800, $0x38;
	[tilespmem:$0xCA00] =	vst v63  }
0x29: {  	s15 =	sadd.s32 $0x4B0, s22;
	_ =	swait.ge [sflag:s4], $0xC800  }
0x2a: {  	s14 =	sshrl.u32 s15, $0x3;
	[sflag:s4] =	ssyncset.done $0x0  }
0x2b: {  	s14 =	sadd.s32 s20, s14;
	[sflag:s4] =	ssyncadd.s32 $0xFFFF3800  }
0x2c: {  	[tilespmem:s3], [sflag:$0x2] =	stream.linear.gather [hbm4b:s14+s3], $0x190, $0x38;
	[tilespmem:$0xCA00] =	vst v63  }
0x2d: {  	_ =	swait.ge [sflag:s4], $0x190  }
0x2e: {  	[sflag:s4] =	ssyncset.done $0x0  }
0x2f: {  	[sflag:s4] =	ssyncadd.s32 $0xFFFFFE70  }
0x30: {  	[tilespmem:s7], [sflag:$0x1] =	stream.indirect.gather [hbm4b:s2+s6], $0x80, s3, s6, $0xb8;
	[tilespmem:$0xCA00] =	vst v63  }
0x31: {  	_ =	swait.ge [sflag:s8], $0xC800  }
0x32: {  	s15 =	sshll.u32 s15, $0x4;
	[sflag:s8] =	ssyncset.done $0x0  }
0x33: {  	s15 =	sadd.s32 s23, s15;
	[sflag:s8] =	ssyncadd.s32 $0xFFFF3800  }
0x34: {  	[hbm4b:s15+s3] =	stream.linear.scatter [tilespmem:s7], [sflag:$0x2], $0xC800, $0x38;
	[tilespmem:$0xCA00] =	vst v63  }
0x35: {  	s17 =	sadd.s32 $0x640, s22;
	_ =	swait.ge [sflag:s4], $0xC800  }
0x36: {  	s16 =	sshrl.u32 s17, $0x3;
	[sflag:s4] =	ssyncset.done $0x0  }
0x37: {  	s16 =	sadd.s32 s20, s16;
	[sflag:s4] =	ssyncadd.s32 $0xFFFF3800  }
0x38: {  	[tilespmem:s3], [sflag:$0x2] =	stream.linear.gather [hbm4b:s16+s3], $0x190, $0x38;
	[tilespmem:$0xCA00] =	vst v63  }
0x39: {  	_ =	swait.ge [sflag:s4], $0x190  }
0x3a: {  	[sflag:s4] =	ssyncset.done $0x0  }
0x3b: {  	[sflag:s4] =	ssyncadd.s32 $0xFFFFFE70  }
0x3c: {  	[tilespmem:s7], [sflag:$0x1] =	stream.indirect.gather [hbm4b:s2+s6], $0x80, s3, s6, $0xb8;
	[tilespmem:$0xCA00] =	vst v63  }
0x3d: {  	_ =	swait.ge [sflag:s8], $0xC800  }
0x3e: {  	s17 =	sshll.u32 s17, $0x4;
	[sflag:s8] =	ssyncset.done $0x0  }
0x3f: {  	s17 =	sadd.s32 s23, s17;
	[sflag:s8] =	ssyncadd.s32 $0xFFFF3800  }
0x40: {  	[hbm4b:s17+s3] =	stream.linear.scatter [tilespmem:s7], [sflag:$0x2], $0xC800, $0x38;
	[tilespmem:$0xCA00] =	vst v63  }
0x41: {  	s19 =	sadd.s32 $0x7D0, s22;
	_ =	swait.ge [sflag:s4], $0xC800  }
0x42: {  	s18 =	sshrl.u32 s19, $0x3;
	[sflag:s4] =	ssyncset.done $0x0  }
0x43: {  	s18 =	sadd.s32 s20, s18;
	[sflag:s4] =	ssyncadd.s32 $0xFFFF3800  }
0x44: {  	[tilespmem:s3], [sflag:$0x2] =	stream.linear.gather [hbm4b:s18+s3], $0x190, $0x38;
	[tilespmem:$0xCA00] =	vst v63  }
0x45: {  	_ =	swait.ge [sflag:s4], $0x190  }
0x46: {  	[sflag:s4] =	ssyncset.done $0x0  }
0x47: {  	[sflag:s4] =	ssyncadd.s32 $0xFFFFFE70  }
0x48: {  	[tilespmem:s7], [sflag:$0x1] =	stream.indirect.gather [hbm4b:s2+s6], $0x80, s3, s6, $0xb8;
	[tilespmem:$0xCA00] =	vst v63  }
0x49: {  	_ =	swait.ge [sflag:s8], $0xC800  }
0x4a: {  	s19 =	sshll.u32 s19, $0x4;
	[sflag:s8] =	ssyncset.done $0x0  }
0x4b: {  	s19 =	sadd.s32 s23, s19;
	[sflag:s8] =	ssyncadd.s32 $0xFFFF3800  }
0x4c: {  	[hbm4b:s19+s3] =	stream.linear.scatter [tilespmem:s7], [sflag:$0x2], $0xC800, $0x38;
	[tilespmem:$0xCA00] =	vst v63  }
0x4d: {  	s22 =	sadd.s32 $0x960, s22;
	_ =	swait.ge [sflag:s4], $0xC800  }
0x4e: {  	s24 =	sshrl.u32 s22, $0x3;
	[sflag:s4] =	ssyncset.done $0x0  }
0x4f: {  	s21 =	ssub.s32 $0x2, s21;
	s20 =	sadd.s32 s20, s24;
	[sflag:s4] =	ssyncadd.s32 $0xFFFF3800  }
0x50: {  	[tilespmem:s3], [sflag:$0x2] =	stream.linear.gather [hbm4b:s20+s3], $0x190, $0x38;
	[tilespmem:$0xCA00] =	vst v63  }
0x51: {  	s29 =	sshrl.u32 s21, $0x1;
	_ =	swait.ge [sflag:s4], $0x190  }
0x52: {  	s24 =	ssub.s32 s21, s29;
	[sflag:s4] =	ssyncset.done $0x0  }
0x53: {  	s31 =	smax.u32 s24, $0x1;
	[sflag:s4] =	ssyncadd.s32 $0xFFFFFE70  }
0x54: {  	[tilespmem:s7], [sflag:$0x1] =	stream.indirect.gather [hbm4b:s2+s6], $0x80, s3, s6, $0xb8;
	[tilespmem:$0xCA00] =	vst v63  }
0x55: {  	p0 =	sne.s32 s31, $0x1;
	_ =	swait.ge [sflag:s8], $0xC800  }
.Ltmp0:
0x56: {  	s30 =	sshll.u32 s22, $0x4;
	[sflag:s8] =	ssyncset.done $0x0;
	(pc) =	sbr.rel @!p0 .LBB2_2-.Ltmp0, $4  }
0x57: {  	s21 =	sadd.s32 s23, s30;
	[sflag:s8] =	ssyncadd.s32 $0xFFFF3800  }
0x58: {  	[hbm4b:s21+s3] =	stream.linear.scatter [tilespmem:s7], [sflag:$0x2], $0xC800, $0x38;
	[tilespmem:$0xCA00] =	vst v63  }
0x59: {  	_ =	swait.ge [sflag:s4], $0xC800  }
0x5a: {  	s22 =	sadd.s32 $0xFFFFFFFF, s31;
	[sflag:s4] =	ssyncset.done $0x0  }
.LBB2_1:
0x5b: {  	p0 =	sne.s32 s22, $0x1;
	s22 =	sadd.s32 $0xFFFFFFFF, s22;
	[sflag:s4] =	ssyncadd.s32 $0xFFFF3800  }
0x5c: {  	[tilespmem:s3], [sflag:$0x2] =	stream.linear.gather [hbm4b:s5+s3], $0x190, $0x38;
	[tilespmem:$0xCA00] =	vst v63  }
0x5d: {  	_ =	swait.ge [sflag:s4], $0x190  }
0x5e: {  	[sflag:s4] =	ssyncset.done $0x0  }
0x5f: {  	[sflag:s4] =	ssyncadd.s32 $0xFFFFFE70  }
0x60: {  	[tilespmem:s7], [sflag:$0x1] =	stream.indirect.gather [hbm4b:s2+s6], $0x80, s3, s6, $0xb8;
	[tilespmem:$0xCA00] =	vst v63  }
0x61: {  	_ =	swait.ge [sflag:s8], $0xC800  }
0x62: {  	[sflag:s8] =	ssyncset.done $0x0  }
0x63: {  	[sflag:s8] =	ssyncadd.s32 $0xFFFF3800  }
0x64: {  	[hbm4b:s9+s3] =	stream.linear.scatter [tilespmem:s7], [sflag:$0x2], $0xC800, $0x38;
	[tilespmem:$0xCA00] =	vst v63  }
0x65: {  	_ =	swait.ge [sflag:s4], $0xC800  }
0x66: {  	[sflag:s4] =	ssyncset.done $0x0  }
0x67: {  	[sflag:s4] =	ssyncadd.s32 $0xFFFF3800  }
0x68: {  	[tilespmem:s3], [sflag:$0x2] =	stream.linear.gather [hbm4b:s10+s3], $0x190, $0x38;
	[tilespmem:$0xCA00] =	vst v63  }
0x69: {  	_ =	swait.ge [sflag:s4], $0x190  }
0x6a: {  	[sflag:s4] =	ssyncset.done $0x0  }
0x6b: {  	[sflag:s4] =	ssyncadd.s32 $0xFFFFFE70  }
0x6c: {  	[tilespmem:s7], [sflag:$0x1] =	stream.indirect.gather [hbm4b:s2+s6], $0x80, s3, s6, $0xb8;
	[tilespmem:$0xCA00] =	vst v63  }
0x6d: {  	_ =	swait.ge [sflag:s8], $0xC800  }
0x6e: {  	[sflag:s8] =	ssyncset.done $0x0  }
0x6f: {  	[sflag:s8] =	ssyncadd.s32 $0xFFFF3800  }
0x70: {  	[hbm4b:s11+s3] =	stream.linear.scatter [tilespmem:s7], [sflag:$0x2], $0xC800, $0x38;
	[tilespmem:$0xCA00] =	vst v63  }
0x71: {  	_ =	swait.ge [sflag:s4], $0xC800  }
0x72: {  	[sflag:s4] =	ssyncset.done $0x0  }
0x73: {  	[sflag:s4] =	ssyncadd.s32 $0xFFFF3800  }
0x74: {  	[tilespmem:s3], [sflag:$0x2] =	stream.linear.gather [hbm4b:s12+s3], $0x190, $0x38;
	[tilespmem:$0xCA00] =	vst v63  }
0x75: {  	_ =	swait.ge [sflag:s4], $0x190  }
0x76: {  	[sflag:s4] =	ssyncset.done $0x0  }
0x77: {  	[sflag:s4] =	ssyncadd.s32 $0xFFFFFE70  }
0x78: {  	[tilespmem:s7], [sflag:$0x1] =	stream.indirect.gather [hbm4b:s2+s6], $0x80, s3, s6, $0xb8;
	[tilespmem:$0xCA00] =	vst v63  }
0x79: {  	_ =	swait.ge [sflag:s8], $0xC800  }
0x7a: {  	[sflag:s8] =	ssyncset.done $0x0  }
0x7b: {  	[sflag:s8] =	ssyncadd.s32 $0xFFFF3800  }
0x7c: {  	[hbm4b:s13+s3] =	stream.linear.scatter [tilespmem:s7], [sflag:$0x2], $0xC800, $0x38;
	[tilespmem:$0xCA00] =	vst v63  }
0x7d: {  	_ =	swait.ge [sflag:s4], $0xC800  }
0x7e: {  	[sflag:s4] =	ssyncset.done $0x0  }
0x7f: {  	[sflag:s4] =	ssyncadd.s32 $0xFFFF3800  }
0x80: {  	[tilespmem:s3], [sflag:$0x2] =	stream.linear.gather [hbm4b:s14+s3], $0x190, $0x38;
	[tilespmem:$0xCA00] =	vst v63  }
0x81: {  	_ =	swait.ge [sflag:s4], $0x190  }
0x82: {  	[sflag:s4] =	ssyncset.done $0x0  }
0x83: {  	[sflag:s4] =	ssyncadd.s32 $0xFFFFFE70  }
0x84: {  	[tilespmem:s7], [sflag:$0x1] =	stream.indirect.gather [hbm4b:s2+s6], $0x80, s3, s6, $0xb8;
	[tilespmem:$0xCA00] =	vst v63  }
0x85: {  	_ =	swait.ge [sflag:s8], $0xC800  }
0x86: {  	[sflag:s8] =	ssyncset.done $0x0  }
0x87: {  	[sflag:s8] =	ssyncadd.s32 $0xFFFF3800  }
0x88: {  	[hbm4b:s15+s3] =	stream.linear.scatter [tilespmem:s7], [sflag:$0x2], $0xC800, $0x38;
	[tilespmem:$0xCA00] =	vst v63  }
0x89: {  	_ =	swait.ge [sflag:s4], $0xC800  }
0x8a: {  	[sflag:s4] =	ssyncset.done $0x0  }
0x8b: {  	[sflag:s4] =	ssyncadd.s32 $0xFFFF3800  }
0x8c: {  	[tilespmem:s3], [sflag:$0x2] =	stream.linear.gather [hbm4b:s16+s3], $0x190, $0x38;
	[tilespmem:$0xCA00] =	vst v63  }
0x8d: {  	_ =	swait.ge [sflag:s4], $0x190  }
0x8e: {  	[sflag:s4] =	ssyncset.done $0x0  }
0x8f: {  	[sflag:s4] =	ssyncadd.s32 $0xFFFFFE70  }
0x90: {  	[tilespmem:s7], [sflag:$0x1] =	stream.indirect.gather [hbm4b:s2+s6], $0x80, s3, s6, $0xb8;
	[tilespmem:$0xCA00] =	vst v63  }
0x91: {  	_ =	swait.ge [sflag:s8], $0xC800  }
0x92: {  	[sflag:s8] =	ssyncset.done $0x0  }
0x93: {  	[sflag:s8] =	ssyncadd.s32 $0xFFFF3800  }
0x94: {  	[hbm4b:s17+s3] =	stream.linear.scatter [tilespmem:s7], [sflag:$0x2], $0xC800, $0x38;
	[tilespmem:$0xCA00] =	vst v63  }
0x95: {  	_ =	swait.ge [sflag:s4], $0xC800  }
0x96: {  	[sflag:s4] =	ssyncset.done $0x0  }
0x97: {  	[sflag:s4] =	ssyncadd.s32 $0xFFFF3800  }
0x98: {  	[tilespmem:s3], [sflag:$0x2] =	stream.linear.gather [hbm4b:s18+s3], $0x190, $0x38;
	[tilespmem:$0xCA00] =	vst v63  }
0x99: {  	_ =	swait.ge [sflag:s4], $0x190  }
0x9a: {  	[sflag:s4] =	ssyncset.done $0x0  }
0x9b: {  	[sflag:s4] =	ssyncadd.s32 $0xFFFFFE70  }
0x9c: {  	[tilespmem:s7], [sflag:$0x1] =	stream.indirect.gather [hbm4b:s2+s6], $0x80, s3, s6, $0xb8;
	[tilespmem:$0xCA00] =	vst v63  }
0x9d: {  	_ =	swait.ge [sflag:s8], $0xC800  }
0x9e: {  	[sflag:s8] =	ssyncset.done $0x0  }
0x9f: {  	[sflag:s8] =	ssyncadd.s32 $0xFFFF3800  }
0xa0: {  	[hbm4b:s19+s3] =	stream.linear.scatter [tilespmem:s7], [sflag:$0x2], $0xC800, $0x38;
	[tilespmem:$0xCA00] =	vst v63  }
0xa1: {  	_ =	swait.ge [sflag:s4], $0xC800  }
0xa2: {  	[sflag:s4] =	ssyncset.done $0x0  }
0xa3: {  	[sflag:s4] =	ssyncadd.s32 $0xFFFF3800  }
0xa4: {  	[tilespmem:s3], [sflag:$0x2] =	stream.linear.gather [hbm4b:s20+s3], $0x190, $0x38;
	[tilespmem:$0xCA00] =	vst v63  }
0xa5: {  	_ =	swait.ge [sflag:s4], $0x190  }
0xa6: {  	[sflag:s4] =	ssyncset.done $0x0  }
0xa7: {  	[sflag:s4] =	ssyncadd.s32 $0xFFFFFE70  }
0xa8: {  	[tilespmem:s7], [sflag:$0x1] =	stream.indirect.gather [hbm4b:s2+s6], $0x80, s3, s6, $0xb8;
	[tilespmem:$0xCA00] =	vst v63  }
0xa9: {  	_ =	swait.ge [sflag:s8], $0xC800  }
.Ltmp1:
0xaa: {  	[sflag:s8] =	ssyncset.done $0x0;
	(pc) =	sbr.rel @p0 .LBB2_1-.Ltmp1, $4  }
0xab: {  	[sflag:s8] =	ssyncadd.s32 $0xFFFF3800  }
0xac: {  	[hbm4b:s21+s3] =	stream.linear.scatter [tilespmem:s7], [sflag:$0x2], $0xC800, $0x38;
	[tilespmem:$0xCA00] =	vst v63  }
0xad: {  	_ =	swait.ge [sflag:s4], $0xC800  }
0xae: {  	[sflag:s4] =	ssyncset.done $0x0  }
.LBB2_2:
0xaf: {  	[sflag:s4] =	ssyncadd.s32 $0xFFFF3800  }
0xb0: {  	_ =	sfence.sel $0x180000  }
0xb1: {  	[bflag:$0x0] =	sbarrier.arrive $0xFFFF  }
0xb2: {  	p0 =	sne.s32 s0, $0x0;
	_ =	strace $0x90000050  }
0xb3: {  	s0 =	sadd.s32 @!p0 $0x100000, s1;
	[bflag:$0x2] =	sbarrier.arrive $0xFFFF  }
0xb4: {  	[sflag:s0] =	ssyncadd.tile.s32 @!p0 $0x1;
	_ =	shalt  }
.Lfunc_end2:
_tile_overlayer_lowered:
.L_overlay_start_2:
0xb5: {  	(tag) =	ssettag $0x2  }
0xb6: {  	s0 =	rddreg [dreg:$0x0];
	s2 =	stileid.u32  }
0xb7: {  	s1 =	rddreg [dreg:$0x1];
	p0 =	sne.s32 s2, $0x0  }
0xb8: {  	s3 =	rddreg [dreg:$0x2];
	[bflag:$0x3] =	sbarrier.arrive $0xFFFF;
	s2 =	simm.s32 @!p0 $0x1C02  }
0xb9: {  	[timem:s3], [sflag:s2] =	dma.local @!p0 [hbm:s0], s1  }
0xba: {  	s0 =	simm.s32 @!p0 $0x2  }
0xbb: {  	_ =	swait.ge @!p0 [sflag:s0], s1  }
0xbc: {  	s1 =	ssub.s32 @!p0 $0x0, s1;
	[sflag:s0] =	ssyncset.done @!p0 $0x0  }
0xbd: {  	[sflag:s0] =	ssyncadd.s32 @!p0 s1  }
0xbe: {  	[bflag:$0x3] =	sbarrier.arrive $0xFFFF  }
0xbf: {  	_ =	shalt  }

</sc_bundles>
